<compile_context>
chip_gen: v7x
topology: tpu7x:2x2x1
jax: 0.10.2.dev20260603
libtpu: 0.0.44.dev20260713+nightly
codegen_flags: <defaults>
</compile_context>

<pallas_src>
import functools

import jax
import jax.numpy as jnp
from jax import lax
from jax.experimental import pallas as pl
from jax.experimental.pallas import tpu as pltpu
from jax.experimental.pallas import tpu_sc as plsc

N = 10000
E = 320000
F_IN = 128
HID = 64
OUT = 32

NC = 2
NS = 16
NW = NC * NS
N_PAD = 10240
EPT = E // NW
ECH = 10000
NCHUNK = E // ECH


def _zero_vmem_1d(ref, n):
    def body(i, _):
        ref[pl.ds(pl.multiple_of(i * 16, 16), 16)] = jnp.zeros(
            (16,), jnp.float32)
        return ()
    lax.fori_loop(0, n // 16, body, ())


def _make_deg_kernel():
    mesh = plsc.VectorSubcoreMesh(core_axis_name="c", subcore_axis_name="s")

    @functools.partial(
        pl.kernel,
        out_type=jax.ShapeDtypeStruct((NW, N_PAD), jnp.float32),
        mesh=mesh,
        compiler_params=pltpu.CompilerParams(
            needs_layout_passes=False, use_tc_tiling_on_sc=False),
        scratch_types=[
            pltpu.VMEM((N_PAD,), jnp.float32),
            pltpu.VMEM((EPT,), jnp.int32),
        ],
    )
    def deg_kernel(dst_hbm, out_hbm, hist_v, ed_v):
        c = lax.axis_index("c")
        s = lax.axis_index("s")
        wid = c * NS + s
        _zero_vmem_1d(hist_v, N_PAD)
        pltpu.sync_copy(dst_hbm.at[pl.ds(wid * EPT, EPT)], ed_v)
        ones16 = jnp.full((16,), 1.0, jnp.float32)

        def body(g, _):
            d16 = ed_v[pl.ds(pl.multiple_of(g * 16, 16), 16)]
            plsc.addupdate_scatter(hist_v, [d16], ones16)
            return ()

        lax.fori_loop(0, EPT // 16, body, ())
        pltpu.sync_copy(hist_v, out_hbm.at[wid])

    return deg_kernel


def _make_prop_kernel(FPT):
    mesh = plsc.VectorSubcoreMesh(core_axis_name="c", subcore_axis_name="s")
    CSZ = FPT * N_PAD

    @functools.partial(
        pl.kernel,
        out_type=jax.ShapeDtypeStruct((NW * CSZ,), jnp.float32),
        mesh=mesh,
        compiler_params=pltpu.CompilerParams(
            needs_layout_passes=False, use_tc_tiling_on_sc=False),
        scratch_types=[
            pltpu.VMEM((CSZ,), jnp.float32),
            pltpu.VMEM((CSZ,), jnp.float32),
            pltpu.VMEM((ECH,), jnp.int32),
            pltpu.VMEM((ECH,), jnp.int32),
        ],
    )
    def prop_kernel(g_hbm, src_hbm, dst_hbm, out_hbm, gcols, acc, es_v, ed_v):
        c = lax.axis_index("c")
        s = lax.axis_index("s")
        wid = c * NS + s
        pltpu.sync_copy(g_hbm.at[pl.ds(wid * CSZ, CSZ)], gcols)
        _zero_vmem_1d(acc, CSZ)

        def group_body(g, _):
            base = pl.ds(pl.multiple_of(g * 16, 16), 16)
            s16 = es_v[base]
            d16 = ed_v[base]
            for f in range(FPT):
                off = f * N_PAD
                v = plsc.load_gather(gcols, [s16 + off])
                plsc.addupdate_scatter(acc, [d16 + off], v)
            return ()

        def chunk_body(ch, _):
            eoff = ch * ECH
            pltpu.sync_copy(src_hbm.at[pl.ds(eoff, ECH)], es_v)
            pltpu.sync_copy(dst_hbm.at[pl.ds(eoff, ECH)], ed_v)
            lax.fori_loop(0, ECH // 16, group_body, ())
            return ()

        lax.fori_loop(0, NCHUNK, chunk_body, ())
        pltpu.sync_copy(acc, out_hbm.at[pl.ds(wid * CSZ, CSZ)])

    return prop_kernel


def _tc1_body(xp_ref, w1_ref, degp_ref, g1t_ref, dinv_ref):
    deg = 1.0 + jnp.sum(degp_ref[...], axis=0, keepdims=True)
    dinv = lax.rsqrt(deg)
    xw_t = lax.dot_general(w1_ref[...], xp_ref[...],
                           (((0,), (1,)), ((), ())),
                           preferred_element_type=jnp.float32)
    g1t_ref[...] = xw_t * dinv
    dinv_ref[...] = dinv


def _tc2_body(p1_ref, g1t_ref, dinv_ref, w2_ref, b1_ref, g2t_ref):
    h1 = jnp.maximum(
        (p1_ref[...] + g1t_ref[...]) * dinv_ref[...] + b1_ref[...], 0.0)
    g2t_ref[...] = lax.dot_general(w2_ref[...], h1,
                                   (((0,), (0,)), ((), ())),
                                   preferred_element_type=jnp.float32
                                   ) * dinv_ref[...]


def _tc3_body(p2_ref, g2t_ref, dinv_ref, b2_ref, out_ref):
    h2 = jnp.maximum(
        (p2_ref[:, :N] + g2t_ref[:, :N]) * dinv_ref[:, :N] + b2_ref[...],
        0.0)
    out_ref[...] = jnp.sum(h2, axis=1, keepdims=True) * (1.0 / N)


_deg_kernel = _make_deg_kernel()
_prop_hid = _make_prop_kernel(HID // NW)
_prop_out = _make_prop_kernel(OUT // NW)


@jax.jit
def kernel(x, edge_index, W1, b1, W2, b2):
    src = edge_index[0]
    dst = edge_index[1]
    x_pad = jnp.zeros((N_PAD, F_IN), jnp.float32).at[:N].set(x)

    degp = _deg_kernel(dst)

    g1t, dinv = pl.pallas_call(
        _tc1_body,
        out_shape=[
            jax.ShapeDtypeStruct((HID, N_PAD), jnp.float32),
            jax.ShapeDtypeStruct((1, N_PAD), jnp.float32),
        ],
    )(x_pad, W1, degp)

    p1 = _prop_hid(g1t.reshape(-1), src, dst)

    g2t = pl.pallas_call(
        _tc2_body,
        out_shape=jax.ShapeDtypeStruct((OUT, N_PAD), jnp.float32),
    )(p1.reshape(HID, N_PAD), g1t, dinv, W2, b1.reshape(HID, 1))

    p2 = _prop_out(g2t.reshape(-1), src, dst)

    pooled = pl.pallas_call(
        _tc3_body,
        out_shape=jax.ShapeDtypeStruct((OUT, 1), jnp.float32),
    )(p2.reshape(OUT, N_PAD), g2t, dinv, b2.reshape(OUT, 1))
    return pooled.reshape(1, OUT)

# --- scband reference (transcript-rebuilt; emitter-appended) ---
"""Pipeline reference for scband-gnn-encoder-32306744000893 (READ-ONLY COPY).

The authoritative reference and input builder live on the scoring server;
editing this copy changes nothing except your own understanding.
"""

import jax, jax.numpy as jnp
import numpy as np

N = 10000
E = 320000
F_IN = 128
HID = 64
OUT = 32


def setup_inputs(seed: int = 0) -> dict:
    key = jax.random.key(seed)
    ks = jax.random.split(key, 6)
    x = jax.random.normal(ks[0], (N, F_IN), dtype=jnp.float32)
    edge_index = jax.random.randint(ks[1], (2, E), 0, N, dtype=jnp.int32)
    W1 = jax.random.normal(ks[2], (F_IN, HID), dtype=jnp.float32) * (1.0 / np.sqrt(F_IN))
    b1 = jnp.zeros((HID,), dtype=jnp.float32)
    W2 = jax.random.normal(ks[3], (HID, OUT), dtype=jnp.float32) * (1.0 / np.sqrt(HID))
    b2 = jnp.zeros((OUT,), dtype=jnp.float32)
    return {"x": x, "edge_index": edge_index, "W1": W1, "b1": b1, "W2": W2, "b2": b2}


def _gcn_conv(x, src, dst, norm, W, b):
    # GCNConv: out = D^{-1/2} (A + I) D^{-1/2} X W + b
    h = x @ W
    msg = jnp.take(h, src, axis=0) * norm[:, None]
    out = jnp.zeros((N, W.shape[1]), dtype=h.dtype).at[dst].add(msg)
    return out + b


def reference(x, edge_index, W1, b1, W2, b2):
    self_loops = jnp.arange(N, dtype=edge_index.dtype)
    src = jnp.concatenate([edge_index[0], self_loops])
    dst = jnp.concatenate([edge_index[1], self_loops])
    # symmetric normalization with self-loops (deg >= 1 guaranteed)
    deg = jnp.zeros((N,), dtype=jnp.float32).at[dst].add(1.0)
    dinv = jax.lax.rsqrt(deg)
    norm = jnp.take(dinv, src) * jnp.take(dinv, dst)
    h = jax.nn.relu(_gcn_conv(x, src, dst, norm, W1, b1))
    h = jax.nn.relu(_gcn_conv(h, src, dst, norm, W2, b2))
    # global_mean_pool with batch = zeros -> single-graph mean pooling
    pooled = jnp.mean(h, axis=0, keepdims=True)
    return pooled

if __name__ == "__main__":
    import jax
    _d = setup_inputs()
    print(jax.jit(kernel)(*tuple(_d.values())))

</pallas_src>

<mosaic_0001>
#map = affine_map<(d0, d1) -> (0)>
#map1 = affine_map<(d0, d1) -> (0, 0)>
module attributes {stable_mosaic.version = 14 : i64} {
  func.func @deg_kernel(%arg0: i32, %arg1: i32, %arg2: memref<320000xi32, #tpu.memory_space<hbm>>, %arg3: memref<32x10240xf32, #tpu.memory_space<hbm>>, %arg4: memref<10240xf32, #tpu.memory_space<vmem>>, %arg5: memref<10000xi32, #tpu.memory_space<vmem>>) attributes {dimension_semantics = [#tpu.dimension_semantics<core_parallel>, #tpu.dimension_semantics<subcore_parallel>], iteration_bounds = array<i64: 2, 16>, scalar_prefetch = 0 : i64, scratch_operands = 2 : i64, tpu.core_type = #tpu.core_type<sc_vector_subcore>, window_params = [{transform_indices = #map}, {transform_indices = #map1}]} {
    %mul3A = arith.constant 16 : i32
    %mul3A_0 = arith.muli %arg0, %mul3A : i32
    %add3A = arith.addi %mul3A_0, %arg1 : i32
    %scan3A = arith.constant 0 : i32
    %scan3A_1 = arith.constant 640 : i32
    %scan3A_2 = arith.addi %scan3A, %scan3A_1 : i32
    %scan3A_3 = arith.constant 1 : i32
    scf.for %scan3A_13 = %scan3A to %scan3A_2 step %scan3A_3  : i32 {
      %broadcast_in_dim3A_14 = arith.constant 0.000000e+00 : f32
      %broadcast_in_dim3A_15 = vector.broadcast %broadcast_in_dim3A_14 : f32 to vector<16xf32>
      %mul3A_16 = arith.constant 16 : i32
      %mul3A_17 = arith.muli %scan3A_13, %mul3A_16 : i32
      %multiple_of3A = tpu.assume_multiple %mul3A_17, 16 : i32
      %swap3A = arith.index_cast %multiple_of3A : i32 to index
      %swap3A_18 = tpu.vector_load %arg4[%swap3A] {strides = array<i32>} : memref<10240xf32, #tpu.memory_space<vmem>>, vector<16xf32>,
      tpu.vector_store %arg4[%swap3A], %broadcast_in_dim3A_15 {strides = array<i32>} : memref<10240xf32, #tpu.memory_space<vmem>>, vector<16xf32>,
    }
    %scan3A_4 = arith.constant 640 : i32
    %mul3A_5 = arith.constant 10000 : i32
    %mul3A_6 = arith.muli %add3A, %mul3A_5 : i32
    "tpu.region"() ({
      %run_scoped3A = tpu.sem_alloc : memref<!tpu.dma_semaphore, #tpu.memory_space<semaphore_mem>>
      %dma_start3A = tpu.memref_slice %arg2[%mul3A_6] : memref<320000xi32, #tpu.memory_space<hbm>> -> memref<10000xi32, #tpu.memory_space<hbm>>
      %dma_start3A_13 = tpu.memref_slice %arg2[%mul3A_6] : memref<320000xi32, #tpu.memory_space<hbm>> -> memref<10000xi32, #tpu.memory_space<hbm>>
      tpu.enqueue_dma source(%dma_start3A_13 : memref<10000xi32, #tpu.memory_space<hbm>>) target(%arg5 : memref<10000xi32, #tpu.memory_space<vmem>>) target_semaphore(%run_scoped3A : memref<!tpu.dma_semaphore, #tpu.memory_space<semaphore_mem>>)
      %dma_wait3A = tpu.memref_slice %arg2[%mul3A_6] : memref<320000xi32, #tpu.memory_space<hbm>> -> memref<10000xi32, #tpu.memory_space<hbm>>
      %dma_wait3A_14 = tpu.memref_slice %arg2[%mul3A_6] : memref<320000xi32, #tpu.memory_space<hbm>> -> memref<10000xi32, #tpu.memory_space<hbm>>
      tpu.wait_dma2 semaphore(%run_scoped3A : memref<!tpu.dma_semaphore, #tpu.memory_space<semaphore_mem>>) src(%dma_wait3A_14 : memref<10000xi32, #tpu.memory_space<hbm>>) dst(%arg5 : memref<10000xi32, #tpu.memory_space<vmem>>)
      tpu.yield
    }) : () -> ()
    %broadcast_in_dim3A = arith.constant 1.000000e+00 : f32
    %broadcast_in_dim3A_7 = vector.broadcast %broadcast_in_dim3A : f32 to vector<16xf32>
    %scan3A_8 = arith.constant 0 : i32
    %scan3A_9 = arith.constant 625 : i32
    %scan3A_10 = arith.addi %scan3A_8, %scan3A_9 : i32
    %scan3A_11 = arith.constant 1 : i32
    scf.for %scan3A_13 = %scan3A_8 to %scan3A_10 step %scan3A_11  : i32 {
      %mul3A_14 = arith.constant 16 : i32
      %mul3A_15 = arith.muli %scan3A_13, %mul3A_14 : i32
      %multiple_of3A = tpu.assume_multiple %mul3A_15, 16 : i32
      %get3A = arith.index_cast %multiple_of3A : i32 to index
      %get3A_16 = tpu.vector_load %arg5[%get3A] {strides = array<i32>} : memref<10000xi32, #tpu.memory_space<vmem>>, vector<16xi32>,
      tpu.vector_store_idx %arg4[%get3A_16], %broadcast_in_dim3A_7 {add = true} : memref<10240xf32, #tpu.memory_space<vmem>>[vector<16xi32>], vector<16xf32>,
    }
    %scan3A_12 = arith.constant 625 : i32
    "tpu.region"() ({
      %run_scoped3A = tpu.sem_alloc : memref<!tpu.dma_semaphore, #tpu.memory_space<semaphore_mem>>
      %dma_start3A = arith.constant 0 : i32
      %dma_start3A_13 = tpu.memref_slice %arg3[%add3A, %dma_start3A] : memref<32x10240xf32, #tpu.memory_space<hbm>> -> memref<1x10240xf32, #tpu.memory_space<hbm>>
      %dma_start3A_14 = tpu.memref_squeeze %dma_start3A_13 : memref<1x10240xf32, #tpu.memory_space<hbm>> -> memref<10240xf32, #tpu.memory_space<hbm>>
      %dma_start3A_15 = arith.constant 0 : i32
      %dma_start3A_16 = tpu.memref_slice %arg3[%add3A, %dma_start3A_15] : memref<32x10240xf32, #tpu.memory_space<hbm>> -> memref<1x10240xf32, #tpu.memory_space<hbm>>
      %dma_start3A_17 = tpu.memref_squeeze %dma_start3A_16 : memref<1x10240xf32, #tpu.memory_space<hbm>> -> memref<10240xf32, #tpu.memory_space<hbm>>
      tpu.enqueue_dma source(%arg4 : memref<10240xf32, #tpu.memory_space<vmem>>) target(%dma_start3A_17 : memref<10240xf32, #tpu.memory_space<hbm>>) target_semaphore(%run_scoped3A : memref<!tpu.dma_semaphore, #tpu.memory_space<semaphore_mem>>)
      %dma_wait3A = arith.constant 0 : i32
      %dma_wait3A_18 = tpu.memref_slice %arg3[%add3A, %dma_wait3A] : memref<32x10240xf32, #tpu.memory_space<hbm>> -> memref<1x10240xf32, #tpu.memory_space<hbm>>
      %dma_wait3A_19 = tpu.memref_squeeze %dma_wait3A_18 : memref<1x10240xf32, #tpu.memory_space<hbm>> -> memref<10240xf32, #tpu.memory_space<hbm>>
      %dma_wait3A_20 = arith.constant 0 : i32
      %dma_wait3A_21 = tpu.memref_slice %arg3[%add3A, %dma_wait3A_20] : memref<32x10240xf32, #tpu.memory_space<hbm>> -> memref<1x10240xf32, #tpu.memory_space<hbm>>
      %dma_wait3A_22 = tpu.memref_squeeze %dma_wait3A_21 : memref<1x10240xf32, #tpu.memory_space<hbm>> -> memref<10240xf32, #tpu.memory_space<hbm>>
      tpu.wait_dma2 semaphore(%run_scoped3A : memref<!tpu.dma_semaphore, #tpu.memory_space<semaphore_mem>>) src(%arg4 : memref<10240xf32, #tpu.memory_space<vmem>>) dst(%dma_wait3A_22 : memref<10240xf32, #tpu.memory_space<hbm>>)
      tpu.yield
    }) : () -> ()
    return
  }
}

#map = affine_map<(d0, d1) -> (0)>
module attributes {stable_mosaic.version = 14 : i64} {
  func.func @prop_kernel(%arg0: i32, %arg1: i32, %arg2: memref<655360xf32, #tpu.memory_space<hbm>>, %arg3: memref<320000xi32, #tpu.memory_space<hbm>>, %arg4: memref<320000xi32, #tpu.memory_space<hbm>>, %arg5: memref<655360xf32, #tpu.memory_space<hbm>>, %arg6: memref<20480xf32, #tpu.memory_space<vmem>>, %arg7: memref<20480xf32, #tpu.memory_space<vmem>>, %arg8: memref<10000xi32, #tpu.memory_space<vmem>>, %arg9: memref<10000xi32, #tpu.memory_space<vmem>>) attributes {dimension_semantics = [#tpu.dimension_semantics<core_parallel>, #tpu.dimension_semantics<subcore_parallel>], iteration_bounds = array<i64: 2, 16>, scalar_prefetch = 0 : i64, scratch_operands = 4 : i64, tpu.core_type = #tpu.core_type<sc_vector_subcore>, window_params = [{transform_indices = #map}, {transform_indices = #map}, {transform_indices = #map}, {transform_indices = #map}]} {
    %mul3A = arith.constant 16 : i32
    %mul3A_0 = arith.muli %arg0, %mul3A : i32
    %add3A = arith.addi %mul3A_0, %arg1 : i32
    %mul3A_1 = arith.constant 20480 : i32
    %mul3A_2 = arith.muli %add3A, %mul3A_1 : i32
    "tpu.region"() ({
      %run_scoped3A = tpu.sem_alloc : memref<!tpu.dma_semaphore, #tpu.memory_space<semaphore_mem>>
      %dma_start3A = tpu.memref_slice %arg2[%mul3A_2] : memref<655360xf32, #tpu.memory_space<hbm>> -> memref<20480xf32, #tpu.memory_space<hbm>>
      %dma_start3A_14 = tpu.memref_slice %arg2[%mul3A_2] : memref<655360xf32, #tpu.memory_space<hbm>> -> memref<20480xf32, #tpu.memory_space<hbm>>
      tpu.enqueue_dma source(%dma_start3A_14 : memref<20480xf32, #tpu.memory_space<hbm>>) target(%arg6 : memref<20480xf32, #tpu.memory_space<vmem>>) target_semaphore(%run_scoped3A : memref<!tpu.dma_semaphore, #tpu.memory_space<semaphore_mem>>)
      %dma_wait3A = tpu.memref_slice %arg2[%mul3A_2] : memref<655360xf32, #tpu.memory_space<hbm>> -> memref<20480xf32, #tpu.memory_space<hbm>>
      %dma_wait3A_15 = tpu.memref_slice %arg2[%mul3A_2] : memref<655360xf32, #tpu.memory_space<hbm>> -> memref<20480xf32, #tpu.memory_space<hbm>>
      tpu.wait_dma2 semaphore(%run_scoped3A : memref<!tpu.dma_semaphore, #tpu.memory_space<semaphore_mem>>) src(%dma_wait3A_15 : memref<20480xf32, #tpu.memory_space<hbm>>) dst(%arg6 : memref<20480xf32, #tpu.memory_space<vmem>>)
      tpu.yield
    }) : () -> ()
    %scan3A = arith.constant 0 : i32
    %scan3A_3 = arith.constant 1280 : i32
    %scan3A_4 = arith.addi %scan3A, %scan3A_3 : i32
    %scan3A_5 = arith.constant 1 : i32
    scf.for %scan3A_14 = %scan3A to %scan3A_4 step %scan3A_5  : i32 {
      %broadcast_in_dim3A = arith.constant 0.000000e+00 : f32
      %broadcast_in_dim3A_15 = vector.broadcast %broadcast_in_dim3A : f32 to vector<16xf32>
      %mul3A_16 = arith.constant 16 : i32
      %mul3A_17 = arith.muli %scan3A_14, %mul3A_16 : i32
      %multiple_of3A = tpu.assume_multiple %mul3A_17, 16 : i32
      %swap3A = arith.index_cast %multiple_of3A : i32 to index
      %swap3A_18 = tpu.vector_load %arg7[%swap3A] {strides = array<i32>} : memref<20480xf32, #tpu.memory_space<vmem>>, vector<16xf32>,
      tpu.vector_store %arg7[%swap3A], %broadcast_in_dim3A_15 {strides = array<i32>} : memref<20480xf32, #tpu.memory_space<vmem>>, vector<16xf32>,
    }
    %scan3A_6 = arith.constant 1280 : i32
    %scan3A_7 = arith.constant 0 : i32
    %scan3A_8 = arith.constant 32 : i32
    %scan3A_9 = arith.addi %scan3A_7, %scan3A_8 : i32
    %scan3A_10 = arith.constant 1 : i32
    scf.for %scan3A_14 = %scan3A_7 to %scan3A_9 step %scan3A_10  : i32 {
      %mul3A_15 = arith.constant 10000 : i32
      %mul3A_16 = arith.muli %scan3A_14, %mul3A_15 : i32
      "tpu.region"() ({
        %run_scoped3A = tpu.sem_alloc : memref<!tpu.dma_semaphore, #tpu.memory_space<semaphore_mem>>
        %dma_start3A = tpu.memref_slice %arg3[%mul3A_16] : memref<320000xi32, #tpu.memory_space<hbm>> -> memref<10000xi32, #tpu.memory_space<hbm>>
        %dma_start3A_22 = tpu.memref_slice %arg3[%mul3A_16] : memref<320000xi32, #tpu.memory_space<hbm>> -> memref<10000xi32, #tpu.memory_space<hbm>>
        tpu.enqueue_dma source(%dma_start3A_22 : memref<10000xi32, #tpu.memory_space<hbm>>) target(%arg8 : memref<10000xi32, #tpu.memory_space<vmem>>) target_semaphore(%run_scoped3A : memref<!tpu.dma_semaphore, #tpu.memory_space<semaphore_mem>>)
        %dma_wait3A = tpu.memref_slice %arg3[%mul3A_16] : memref<320000xi32, #tpu.memory_space<hbm>> -> memref<10000xi32, #tpu.memory_space<hbm>>
        %dma_wait3A_23 = tpu.memref_slice %arg3[%mul3A_16] : memref<320000xi32, #tpu.memory_space<hbm>> -> memref<10000xi32, #tpu.memory_space<hbm>>
        tpu.wait_dma2 semaphore(%run_scoped3A : memref<!tpu.dma_semaphore, #tpu.memory_space<semaphore_mem>>) src(%dma_wait3A_23 : memref<10000xi32, #tpu.memory_space<hbm>>) dst(%arg8 : memref<10000xi32, #tpu.memory_space<vmem>>)
        tpu.yield
      }) : () -> ()
      "tpu.region"() ({
        %run_scoped3A = tpu.sem_alloc : memref<!tpu.dma_semaphore, #tpu.memory_space<semaphore_mem>>
        %dma_start3A = tpu.memref_slice %arg4[%mul3A_16] : memref<320000xi32, #tpu.memory_space<hbm>> -> memref<10000xi32, #tpu.memory_space<hbm>>
        %dma_start3A_22 = tpu.memref_slice %arg4[%mul3A_16] : memref<320000xi32, #tpu.memory_space<hbm>> -> memref<10000xi32, #tpu.memory_space<hbm>>
        tpu.enqueue_dma source(%dma_start3A_22 : memref<10000xi32, #tpu.memory_space<hbm>>) target(%arg9 : memref<10000xi32, #tpu.memory_space<vmem>>) target_semaphore(%run_scoped3A : memref<!tpu.dma_semaphore, #tpu.memory_space<semaphore_mem>>)
        %dma_wait3A = tpu.memref_slice %arg4[%mul3A_16] : memref<320000xi32, #tpu.memory_space<hbm>> -> memref<10000xi32, #tpu.memory_space<hbm>>
        %dma_wait3A_23 = tpu.memref_slice %arg4[%mul3A_16] : memref<320000xi32, #tpu.memory_space<hbm>> -> memref<10000xi32, #tpu.memory_space<hbm>>
        tpu.wait_dma2 semaphore(%run_scoped3A : memref<!tpu.dma_semaphore, #tpu.memory_space<semaphore_mem>>) src(%dma_wait3A_23 : memref<10000xi32, #tpu.memory_space<hbm>>) dst(%arg9 : memref<10000xi32, #tpu.memory_space<vmem>>)
        tpu.yield
      }) : () -> ()
      %scan3A_17 = arith.constant 0 : i32
      %scan3A_18 = arith.constant 625 : i32
      %scan3A_19 = arith.addi %scan3A_17, %scan3A_18 : i32
      %scan3A_20 = arith.constant 1 : i32
      scf.for %scan3A_22 = %scan3A_17 to %scan3A_19 step %scan3A_20  : i32 {
        %mul3A_23 = arith.constant 16 : i32
        %mul3A_24 = arith.muli %scan3A_22, %mul3A_23 : i32
        %multiple_of3A = tpu.assume_multiple %mul3A_24, 16 : i32
        %get3A = arith.index_cast %multiple_of3A : i32 to index
        %get3A_25 = tpu.vector_load %arg8[%get3A] {strides = array<i32>} : memref<10000xi32, #tpu.memory_space<vmem>>, vector<16xi32>,
        %get3A_26 = arith.index_cast %multiple_of3A : i32 to index
        %get3A_27 = tpu.vector_load %arg9[%get3A_26] {strides = array<i32>} : memref<10000xi32, #tpu.memory_space<vmem>>, vector<16xi32>,
        %add3A_28 = arith.constant 0 : i32
        %add3A_29 = vector.broadcast %add3A_28 : i32 to vector<16xi32>
        %add3A_30 = arith.addi %get3A_25, %add3A_29 : vector<16xi32>
        %gather3A = tpu.vector_load_idx %arg6[%add3A_30] : memref<20480xf32, #tpu.memory_space<vmem>>[vector<16xi32>], vector<16xf32>,
        %add3A_31 = arith.constant 0 : i32
        %add3A_32 = vector.broadcast %add3A_31 : i32 to vector<16xi32>
        %add3A_33 = arith.addi %get3A_27, %add3A_32 : vector<16xi32>
        tpu.vector_store_idx %arg7[%add3A_33], %gather3A {add = true} : memref<20480xf32, #tpu.memory_space<vmem>>[vector<16xi32>], vector<16xf32>,
        %add3A_34 = arith.constant 10240 : i32
        %add3A_35 = vector.broadcast %add3A_34 : i32 to vector<16xi32>
        %add3A_36 = arith.addi %get3A_25, %add3A_35 : vector<16xi32>
        %gather3A_37 = tpu.vector_load_idx %arg6[%add3A_36] : memref<20480xf32, #tpu.memory_space<vmem>>[vector<16xi32>], vector<16xf32>,
        %add3A_38 = arith.constant 10240 : i32
        %add3A_39 = vector.broadcast %add3A_38 : i32 to vector<16xi32>
        %add3A_40 = arith.addi %get3A_27, %add3A_39 : vector<16xi32>
        tpu.vector_store_idx %arg7[%add3A_40], %gather3A_37 {add = true} : memref<20480xf32, #tpu.memory_space<vmem>>[vector<16xi32>], vector<16xf32>,
      }
      %scan3A_21 = arith.constant 625 : i32
    }
    %scan3A_11 = arith.constant 32 : i32
    %mul3A_12 = arith.constant 20480 : i32
    %mul3A_13 = arith.muli %add3A, %mul3A_12 : i32
    "tpu.region"() ({
      %run_scoped3A = tpu.sem_alloc : memref<!tpu.dma_semaphore, #tpu.memory_space<semaphore_mem>>
      %dma_start3A = tpu.memref_slice %arg5[%mul3A_13] : memref<655360xf32, #tpu.memory_space<hbm>> -> memref<20480xf32, #tpu.memory_space<hbm>>
      %dma_start3A_14 = tpu.memref_slice %arg5[%mul3A_13] : memref<655360xf32, #tpu.memory_space<hbm>> -> memref<20480xf32, #tpu.memory_space<hbm>>
      tpu.enqueue_dma source(%arg7 : memref<20480xf32, #tpu.memory_space<vmem>>) target(%dma_start3A_14 : memref<20480xf32, #tpu.memory_space<hbm>>) target_semaphore(%run_scoped3A : memref<!tpu.dma_semaphore, #tpu.memory_space<semaphore_mem>>)
      %dma_wait3A = tpu.memref_slice %arg5[%mul3A_13] : memref<655360xf32, #tpu.memory_space<hbm>> -> memref<20480xf32, #tpu.memory_space<hbm>>
      %dma_wait3A_15 = tpu.memref_slice %arg5[%mul3A_13] : memref<655360xf32, #tpu.memory_space<hbm>> -> memref<20480xf32, #tpu.memory_space<hbm>>
      tpu.wait_dma2 semaphore(%run_scoped3A : memref<!tpu.dma_semaphore, #tpu.memory_space<semaphore_mem>>) src(%arg7 : memref<20480xf32, #tpu.memory_space<vmem>>) dst(%dma_wait3A_15 : memref<20480xf32, #tpu.memory_space<hbm>>)
      tpu.yield
    }) : () -> ()
    return
  }
}

#map = affine_map<(d0, d1) -> (0)>
module attributes {stable_mosaic.version = 14 : i64} {
  func.func @prop_kernel(%arg0: i32, %arg1: i32, %arg2: memref<327680xf32, #tpu.memory_space<hbm>>, %arg3: memref<320000xi32, #tpu.memory_space<hbm>>, %arg4: memref<320000xi32, #tpu.memory_space<hbm>>, %arg5: memref<327680xf32, #tpu.memory_space<hbm>>, %arg6: memref<10240xf32, #tpu.memory_space<vmem>>, %arg7: memref<10240xf32, #tpu.memory_space<vmem>>, %arg8: memref<10000xi32, #tpu.memory_space<vmem>>, %arg9: memref<10000xi32, #tpu.memory_space<vmem>>) attributes {dimension_semantics = [#tpu.dimension_semantics<core_parallel>, #tpu.dimension_semantics<subcore_parallel>], iteration_bounds = array<i64: 2, 16>, scalar_prefetch = 0 : i64, scratch_operands = 4 : i64, tpu.core_type = #tpu.core_type<sc_vector_subcore>, window_params = [{transform_indices = #map}, {transform_indices = #map}, {transform_indices = #map}, {transform_indices = #map}]} {
    %mul3A = arith.constant 16 : i32
    %mul3A_0 = arith.muli %arg0, %mul3A : i32
    %add3A = arith.addi %mul3A_0, %arg1 : i32
    %mul3A_1 = arith.constant 10240 : i32
    %mul3A_2 = arith.muli %add3A, %mul3A_1 : i32
    "tpu.region"() ({
      %run_scoped3A = tpu.sem_alloc : memref<!tpu.dma_semaphore, #tpu.memory_space<semaphore_mem>>
      %dma_start3A = tpu.memref_slice %arg2[%mul3A_2] : memref<327680xf32, #tpu.memory_space<hbm>> -> memref<10240xf32, #tpu.memory_space<hbm>>
      %dma_start3A_14 = tpu.memref_slice %arg2[%mul3A_2] : memref<327680xf32, #tpu.memory_space<hbm>> -> memref<10240xf32, #tpu.memory_space<hbm>>
      tpu.enqueue_dma source(%dma_start3A_14 : memref<10240xf32, #tpu.memory_space<hbm>>) target(%arg6 : memref<10240xf32, #tpu.memory_space<vmem>>) target_semaphore(%run_scoped3A : memref<!tpu.dma_semaphore, #tpu.memory_space<semaphore_mem>>)
      %dma_wait3A = tpu.memref_slice %arg2[%mul3A_2] : memref<327680xf32, #tpu.memory_space<hbm>> -> memref<10240xf32, #tpu.memory_space<hbm>>
      %dma_wait3A_15 = tpu.memref_slice %arg2[%mul3A_2] : memref<327680xf32, #tpu.memory_space<hbm>> -> memref<10240xf32, #tpu.memory_space<hbm>>
      tpu.wait_dma2 semaphore(%run_scoped3A : memref<!tpu.dma_semaphore, #tpu.memory_space<semaphore_mem>>) src(%dma_wait3A_15 : memref<10240xf32, #tpu.memory_space<hbm>>) dst(%arg6 : memref<10240xf32, #tpu.memory_space<vmem>>)
      tpu.yield
    }) : () -> ()
    %scan3A = arith.constant 0 : i32
    %scan3A_3 = arith.constant 640 : i32
    %scan3A_4 = arith.addi %scan3A, %scan3A_3 : i32
    %scan3A_5 = arith.constant 1 : i32
    scf.for %scan3A_14 = %scan3A to %scan3A_4 step %scan3A_5  : i32 {
      %broadcast_in_dim3A = arith.constant 0.000000e+00 : f32
      %broadcast_in_dim3A_15 = vector.broadcast %broadcast_in_dim3A : f32 to vector<16xf32>
      %mul3A_16 = arith.constant 16 : i32
      %mul3A_17 = arith.muli %scan3A_14, %mul3A_16 : i32
      %multiple_of3A = tpu.assume_multiple %mul3A_17, 16 : i32
      %swap3A = arith.index_cast %multiple_of3A : i32 to index
      %swap3A_18 = tpu.vector_load %arg7[%swap3A] {strides = array<i32>} : memref<10240xf32, #tpu.memory_space<vmem>>, vector<16xf32>,
      tpu.vector_store %arg7[%swap3A], %broadcast_in_dim3A_15 {strides = array<i32>} : memref<10240xf32, #tpu.memory_space<vmem>>, vector<16xf32>,
    }
    %scan3A_6 = arith.constant 640 : i32
    %scan3A_7 = arith.constant 0 : i32
    %scan3A_8 = arith.constant 32 : i32
    %scan3A_9 = arith.addi %scan3A_7, %scan3A_8 : i32
    %scan3A_10 = arith.constant 1 : i32
    scf.for %scan3A_14 = %scan3A_7 to %scan3A_9 step %scan3A_10  : i32 {
      %mul3A_15 = arith.constant 10000 : i32
      %mul3A_16 = arith.muli %scan3A_14, %mul3A_15 : i32
      "tpu.region"() ({
        %run_scoped3A = tpu.sem_alloc : memref<!tpu.dma_semaphore, #tpu.memory_space<semaphore_mem>>
        %dma_start3A = tpu.memref_slice %arg3[%mul3A_16] : memref<320000xi32, #tpu.memory_space<hbm>> -> memref<10000xi32, #tpu.memory_space<hbm>>
        %dma_start3A_22 = tpu.memref_slice %arg3[%mul3A_16] : memref<320000xi32, #tpu.memory_space<hbm>> -> memref<10000xi32, #tpu.memory_space<hbm>>
        tpu.enqueue_dma source(%dma_start3A_22 : memref<10000xi32, #tpu.memory_space<hbm>>) target(%arg8 : memref<10000xi32, #tpu.memory_space<vmem>>) target_semaphore(%run_scoped3A : memref<!tpu.dma_semaphore, #tpu.memory_space<semaphore_mem>>)
        %dma_wait3A = tpu.memref_slice %arg3[%mul3A_16] : memref<320000xi32, #tpu.memory_space<hbm>> -> memref<10000xi32, #tpu.memory_space<hbm>>
        %dma_wait3A_23 = tpu.memref_slice %arg3[%mul3A_16] : memref<320000xi32, #tpu.memory_space<hbm>> -> memref<10000xi32, #tpu.memory_space<hbm>>
        tpu.wait_dma2 semaphore(%run_scoped3A : memref<!tpu.dma_semaphore, #tpu.memory_space<semaphore_mem>>) src(%dma_wait3A_23 : memref<10000xi32, #tpu.memory_space<hbm>>) dst(%arg8 : memref<10000xi32, #tpu.memory_space<vmem>>)
        tpu.yield
      }) : () -> ()
      "tpu.region"() ({
        %run_scoped3A = tpu.sem_alloc : memref<!tpu.dma_semaphore, #tpu.memory_space<semaphore_mem>>
        %dma_start3A = tpu.memref_slice %arg4[%mul3A_16] : memref<320000xi32, #tpu.memory_space<hbm>> -> memref<10000xi32, #tpu.memory_space<hbm>>
        %dma_start3A_22 = tpu.memref_slice %arg4[%mul3A_16] : memref<320000xi32, #tpu.memory_space<hbm>> -> memref<10000xi32, #tpu.memory_space<hbm>>
        tpu.enqueue_dma source(%dma_start3A_22 : memref<10000xi32, #tpu.memory_space<hbm>>) target(%arg9 : memref<10000xi32, #tpu.memory_space<vmem>>) target_semaphore(%run_scoped3A : memref<!tpu.dma_semaphore, #tpu.memory_space<semaphore_mem>>)
        %dma_wait3A = tpu.memref_slice %arg4[%mul3A_16] : memref<320000xi32, #tpu.memory_space<hbm>> -> memref<10000xi32, #tpu.memory_space<hbm>>
        %dma_wait3A_23 = tpu.memref_slice %arg4[%mul3A_16] : memref<320000xi32, #tpu.memory_space<hbm>> -> memref<10000xi32, #tpu.memory_space<hbm>>
        tpu.wait_dma2 semaphore(%run_scoped3A : memref<!tpu.dma_semaphore, #tpu.memory_space<semaphore_mem>>) src(%dma_wait3A_23 : memref<10000xi32, #tpu.memory_space<hbm>>) dst(%arg9 : memref<10000xi32, #tpu.memory_space<vmem>>)
        tpu.yield
      }) : () -> ()
      %scan3A_17 = arith.constant 0 : i32
      %scan3A_18 = arith.constant 625 : i32
      %scan3A_19 = arith.addi %scan3A_17, %scan3A_18 : i32
      %scan3A_20 = arith.constant 1 : i32
      scf.for %scan3A_22 = %scan3A_17 to %scan3A_19 step %scan3A_20  : i32 {
        %mul3A_23 = arith.constant 16 : i32
        %mul3A_24 = arith.muli %scan3A_22, %mul3A_23 : i32
        %multiple_of3A = tpu.assume_multiple %mul3A_24, 16 : i32
        %get3A = arith.index_cast %multiple_of3A : i32 to index
        %get3A_25 = tpu.vector_load %arg8[%get3A] {strides = array<i32>} : memref<10000xi32, #tpu.memory_space<vmem>>, vector<16xi32>,
        %get3A_26 = arith.index_cast %multiple_of3A : i32 to index
        %get3A_27 = tpu.vector_load %arg9[%get3A_26] {strides = array<i32>} : memref<10000xi32, #tpu.memory_space<vmem>>, vector<16xi32>,
        %add3A_28 = arith.constant 0 : i32
        %add3A_29 = vector.broadcast %add3A_28 : i32 to vector<16xi32>
        %add3A_30 = arith.addi %get3A_25, %add3A_29 : vector<16xi32>
        %gather3A = tpu.vector_load_idx %arg6[%add3A_30] : memref<10240xf32, #tpu.memory_space<vmem>>[vector<16xi32>], vector<16xf32>,
        %add3A_31 = arith.constant 0 : i32
        %add3A_32 = vector.broadcast %add3A_31 : i32 to vector<16xi32>
        %add3A_33 = arith.addi %get3A_27, %add3A_32 : vector<16xi32>
        tpu.vector_store_idx %arg7[%add3A_33], %gather3A {add = true} : memref<10240xf32, #tpu.memory_space<vmem>>[vector<16xi32>], vector<16xf32>,
      }
      %scan3A_21 = arith.constant 625 : i32
    }
    %scan3A_11 = arith.constant 32 : i32
    %mul3A_12 = arith.constant 10240 : i32
    %mul3A_13 = arith.muli %add3A, %mul3A_12 : i32
    "tpu.region"() ({
      %run_scoped3A = tpu.sem_alloc : memref<!tpu.dma_semaphore, #tpu.memory_space<semaphore_mem>>
      %dma_start3A = tpu.memref_slice %arg5[%mul3A_13] : memref<327680xf32, #tpu.memory_space<hbm>> -> memref<10240xf32, #tpu.memory_space<hbm>>
      %dma_start3A_14 = tpu.memref_slice %arg5[%mul3A_13] : memref<327680xf32, #tpu.memory_space<hbm>> -> memref<10240xf32, #tpu.memory_space<hbm>>
      tpu.enqueue_dma source(%arg7 : memref<10240xf32, #tpu.memory_space<vmem>>) target(%dma_start3A_14 : memref<10240xf32, #tpu.memory_space<hbm>>) target_semaphore(%run_scoped3A : memref<!tpu.dma_semaphore, #tpu.memory_space<semaphore_mem>>)
      %dma_wait3A = tpu.memref_slice %arg5[%mul3A_13] : memref<327680xf32, #tpu.memory_space<hbm>> -> memref<10240xf32, #tpu.memory_space<hbm>>
      %dma_wait3A_15 = tpu.memref_slice %arg5[%mul3A_13] : memref<327680xf32, #tpu.memory_space<hbm>> -> memref<10240xf32, #tpu.memory_space<hbm>>
      tpu.wait_dma2 semaphore(%run_scoped3A : memref<!tpu.dma_semaphore, #tpu.memory_space<semaphore_mem>>) src(%arg7 : memref<10240xf32, #tpu.memory_space<vmem>>) dst(%dma_wait3A_15 : memref<10240xf32, #tpu.memory_space<hbm>>)
      tpu.yield
    }) : () -> ()
    return
  }
}

module attributes {stable_mosaic.version = 14 : i64} {
  func.func @_tc1_body(%arg0: memref<10240x128xf32, #tpu.memory_space<vmem>>, %arg1: memref<128x64xf32, #tpu.memory_space<vmem>>, %arg2: memref<32x10240xf32, #tpu.memory_space<vmem>>, %arg3: memref<64x10240xf32, #tpu.memory_space<vmem>>, %arg4: memref<1x10240xf32, #tpu.memory_space<vmem>>) attributes {dimension_semantics = [], scalar_prefetch = 0 : i64, scratch_operands = 0 : i64, tpu.core_type = #tpu.core_type<tc>} {
    %get3A = arith.constant 0 : index
    %get3A_0 = arith.constant 0 : index
    %get3A_1 = vector.load %arg2[%get3A, %get3A_0] : memref<32x10240xf32, #tpu.memory_space<vmem>>, vector<32x10240xf32>
    %reduce_sum3A = arith.constant dense<0.000000e+00> : vector<10240xf32>
    %reduce_sum3A_2 = vector.multi_reduction <add>, %get3A_1, %reduce_sum3A [0] : vector<32x10240xf32> to vector<10240xf32>
    %broadcast_in_dim3A = vector.shape_cast %reduce_sum3A_2 : vector<10240xf32> to vector<1x10240xf32>
    %add3A = arith.constant 1.000000e+00 : f32
    %add3A_3 = vector.broadcast %add3A : f32 to vector<1x10240xf32>
    %add3A_4 = arith.addf %add3A_3, %broadcast_in_dim3A : vector<1x10240xf32>
    %rsqrt3A = math.rsqrt %add3A_4 : vector<1x10240xf32>
    %get3A_5 = arith.constant 0 : index
    %get3A_6 = arith.constant 0 : index
    %get3A_7 = vector.load %arg1[%get3A_5, %get3A_6] : memref<128x64xf32, #tpu.memory_space<vmem>>, vector<128x64xf32>
    %get3A_8 = arith.constant 0 : index
    %get3A_9 = arith.constant 0 : index
    %get3A_10 = vector.load %arg0[%get3A_8, %get3A_9] : memref<10240x128xf32, #tpu.memory_space<vmem>>, vector<10240x128xf32>
    %dot_general3A = arith.constant dense<0.000000e+00> : vector<64x10240xf32>
    %dot_general3A_11 = tpu.matmul %get3A_7, %get3A_10, %dot_general3A {dimension_numbers = #tpu.dot_dimension_numbers<[0], [1], [1], [0], [0, 1, 1, 0], [], []>, transpose_lhs_hint = false} : vector<128x64xf32>, vector<10240x128xf32>, vector<64x10240xf32> -> vector<64x10240xf32>
    %mul3A = vector.broadcast %rsqrt3A : vector<1x10240xf32> to vector<64x10240xf32>
    %mul3A_12 = arith.mulf %dot_general3A_11, %mul3A : vector<64x10240xf32>
    %swap3A = arith.constant 0 : index
    %swap3A_13 = arith.constant 0 : index
    %swap3A_14 = vector.load %arg3[%swap3A, %swap3A_13] : memref<64x10240xf32, #tpu.memory_space<vmem>>, vector<64x10240xf32>
    tpu.vector_store %arg3[%swap3A, %swap3A_13], %mul3A_12 {strides = array<i32>} : memref<64x10240xf32, #tpu.memory_space<vmem>>, vector<64x10240xf32>,
    %swap3A_15 = arith.constant 0 : index
    %swap3A_16 = arith.constant 0 : index
    %swap3A_17 = vector.load %arg4[%swap3A_15, %swap3A_16] : memref<1x10240xf32, #tpu.memory_space<vmem>>, vector<1x10240xf32>
    tpu.vector_store %arg4[%swap3A_15, %swap3A_16], %rsqrt3A {strides = array<i32>} : memref<1x10240xf32, #tpu.memory_space<vmem>>, vector<1x10240xf32>,
    return
  }
}

module attributes {stable_mosaic.version = 14 : i64} {
  func.func @_tc2_body(%arg0: memref<64x10240xf32, #tpu.memory_space<vmem>>, %arg1: memref<64x10240xf32, #tpu.memory_space<vmem>>, %arg2: memref<1x10240xf32, #tpu.memory_space<vmem>>, %arg3: memref<64x32xf32, #tpu.memory_space<vmem>>, %arg4: memref<64x1xf32, #tpu.memory_space<vmem>>, %arg5: memref<32x10240xf32, #tpu.memory_space<vmem>>) attributes {dimension_semantics = [], scalar_prefetch = 0 : i64, scratch_operands = 0 : i64, tpu.core_type = #tpu.core_type<tc>} {
    %get3A = arith.constant 0 : index
    %get3A_0 = arith.constant 0 : index
    %get3A_1 = vector.load %arg0[%get3A, %get3A_0] : memref<64x10240xf32, #tpu.memory_space<vmem>>, vector<64x10240xf32>
    %get3A_2 = arith.constant 0 : index
    %get3A_3 = arith.constant 0 : index
    %get3A_4 = vector.load %arg1[%get3A_2, %get3A_3] : memref<64x10240xf32, #tpu.memory_space<vmem>>, vector<64x10240xf32>
    %add3A = arith.addf %get3A_1, %get3A_4 : vector<64x10240xf32>
    %get3A_5 = arith.constant 0 : index
    %get3A_6 = arith.constant 0 : index
    %get3A_7 = vector.load %arg2[%get3A_5, %get3A_6] : memref<1x10240xf32, #tpu.memory_space<vmem>>, vector<1x10240xf32>
    %mul3A = vector.broadcast %get3A_7 : vector<1x10240xf32> to vector<64x10240xf32>
    %mul3A_8 = arith.mulf %add3A, %mul3A : vector<64x10240xf32>
    %get3A_9 = arith.constant 0 : index
    %get3A_10 = arith.constant 0 : index
    %get3A_11 = vector.load %arg4[%get3A_9, %get3A_10] : memref<64x1xf32, #tpu.memory_space<vmem>>, vector<64x1xf32>
    %add3A_12 = vector.broadcast %get3A_11 : vector<64x1xf32> to vector<64x10240xf32>
    %add3A_13 = arith.addf %mul3A_8, %add3A_12 : vector<64x10240xf32>
    %max3A = arith.constant 0.000000e+00 : f32
    %max3A_14 = vector.broadcast %max3A : f32 to vector<64x10240xf32>
    %max3A_15 = arith.maximumf %add3A_13, %max3A_14 : vector<64x10240xf32>
    %get3A_16 = arith.constant 0 : index
    %get3A_17 = arith.constant 0 : index
    %get3A_18 = vector.load %arg3[%get3A_16, %get3A_17] : memref<64x32xf32, #tpu.memory_space<vmem>>, vector<64x32xf32>
    %dot_general3A = arith.constant dense<0.000000e+00> : vector<32x10240xf32>
    %dot_general3A_19 = tpu.matmul %get3A_18, %max3A_15, %dot_general3A {dimension_numbers = #tpu.dot_dimension_numbers<[0], [0], [1], [1], [0, 1, 1, 1], [], []>, transpose_lhs_hint = false} : vector<64x32xf32>, vector<64x10240xf32>, vector<32x10240xf32> -> vector<32x10240xf32>
    %get3A_20 = arith.constant 0 : index
    %get3A_21 = arith.constant 0 : index
    %get3A_22 = vector.load %arg2[%get3A_20, %get3A_21] : memref<1x10240xf32, #tpu.memory_space<vmem>>, vector<1x10240xf32>
    %mul3A_23 = vector.broadcast %get3A_22 : vector<1x10240xf32> to vector<32x10240xf32>
    %mul3A_24 = arith.mulf %dot_general3A_19, %mul3A_23 : vector<32x10240xf32>
    %swap3A = arith.constant 0 : index
    %swap3A_25 = arith.constant 0 : index
    %swap3A_26 = vector.load %arg5[%swap3A, %swap3A_25] : memref<32x10240xf32, #tpu.memory_space<vmem>>, vector<32x10240xf32>
    tpu.vector_store %arg5[%swap3A, %swap3A_25], %mul3A_24 {strides = array<i32>} : memref<32x10240xf32, #tpu.memory_space<vmem>>, vector<32x10240xf32>,
    return
  }
}

module attributes {stable_mosaic.version = 14 : i64} {
  func.func @_tc3_body(%arg0: memref<32x10240xf32, #tpu.memory_space<vmem>>, %arg1: memref<32x10240xf32, #tpu.memory_space<vmem>>, %arg2: memref<1x10240xf32, #tpu.memory_space<vmem>>, %arg3: memref<32x1xf32, #tpu.memory_space<vmem>>, %arg4: memref<32x1xf32, #tpu.memory_space<vmem>>) attributes {dimension_semantics = [], scalar_prefetch = 0 : i64, scratch_operands = 0 : i64, tpu.core_type = #tpu.core_type<tc>} {
    %get3A = arith.constant 0 : index
    %get3A_0 = arith.constant 0 : index
    %get3A_1 = vector.load %arg0[%get3A, %get3A_0] : memref<32x10240xf32, #tpu.memory_space<vmem>>, vector<32x10000xf32>
    %get3A_2 = arith.constant 0 : index
    %get3A_3 = arith.constant 0 : index
    %get3A_4 = vector.load %arg1[%get3A_2, %get3A_3] : memref<32x10240xf32, #tpu.memory_space<vmem>>, vector<32x10000xf32>
    %add3A = arith.addf %get3A_1, %get3A_4 : vector<32x10000xf32>
    %get3A_5 = arith.constant 0 : index
    %get3A_6 = arith.constant 0 : index
    %get3A_7 = vector.load %arg2[%get3A_5, %get3A_6] : memref<1x10240xf32, #tpu.memory_space<vmem>>, vector<1x10000xf32>
    %mul3A = vector.broadcast %get3A_7 : vector<1x10000xf32> to vector<32x10000xf32>
    %mul3A_8 = arith.mulf %add3A, %mul3A : vector<32x10000xf32>
    %get3A_9 = arith.constant 0 : index
    %get3A_10 = arith.constant 0 : index
    %get3A_11 = vector.load %arg3[%get3A_9, %get3A_10] : memref<32x1xf32, #tpu.memory_space<vmem>>, vector<32x1xf32>
    %add3A_12 = vector.broadcast %get3A_11 : vector<32x1xf32> to vector<32x10000xf32>
    %add3A_13 = arith.addf %mul3A_8, %add3A_12 : vector<32x10000xf32>
    %max3A = arith.constant 0.000000e+00 : f32
    %max3A_14 = vector.broadcast %max3A : f32 to vector<32x10000xf32>
    %max3A_15 = arith.maximumf %add3A_13, %max3A_14 : vector<32x10000xf32>
    %reduce_sum3A = arith.constant dense<0.000000e+00> : vector<32xf32>
    %reduce_sum3A_16 = vector.multi_reduction <add>, %max3A_15, %reduce_sum3A [1] : vector<32x10000xf32> to vector<32xf32>
    %broadcast_in_dim3A = vector.shape_cast %reduce_sum3A_16 : vector<32xf32> to vector<32x1xf32>
    %mul3A_17 = arith.constant 9.99999974E-5 : f32
    %mul3A_18 = vector.broadcast %mul3A_17 : f32 to vector<32x1xf32>
    %mul3A_19 = arith.mulf %broadcast_in_dim3A, %mul3A_18 : vector<32x1xf32>
    %swap3A = arith.constant 0 : index
    %swap3A_20 = arith.constant 0 : index
    %swap3A_21 = vector.load %arg4[%swap3A, %swap3A_20] : memref<32x1xf32, #tpu.memory_space<vmem>>, vector<32x1xf32>
    tpu.vector_store %arg4[%swap3A, %swap3A_20], %mul3A_19 {strides = array<i32>} : memref<32x1xf32, #tpu.memory_space<vmem>>, vector<32x1xf32>,
    return
  }
}

</mosaic_0001>

<sc_bundles>
// kernel: kernel.11.cloned.1.call-start
scs
__scs_entry_jumppad:
0x0: {  	(pc) =	sbr.rel $0x88, $3  }
0x1: {  	(tag) =	ssettag $0x0;
	lr =	simm.s32 $0x1  }
0x2: {  	[smem:$0x3F9B] =	sst lr;
	_ =	strace $0xD0000000  }
0x3: {  	_ = 	snop  }
0x4: {  	_ = 	snop  }
0x5: {  	_ = 	snop  }
0x6: {  	_ = 	snop  }
0x7: {  	_ = 	snop  }
__scs_overlays_trampoline_lowered:
0x8: {  	[smem:$0x3FAA] =	sst s0  }
0x9: {  	[smem:$0x3FAB] =	sst s1  }
0xa: {  	[smem:$0x3FAC] =	sst s2  }
0xb: {  	[smem:$0x3FAD] =	sst s3  }
0xc: {  	[smem:$0x3FAE] =	sst s4  }
0xd: {  	[smem:$0x3FAF] =	sst s5  }
0xe: {  	[smem:$0x3FB0] =	sst s6  }
0xf: {  	[smem:$0x3FB1] =	sst s7  }
0x10: {  	[smem:$0x3FB2] =	sst s8  }
0x11: {  	[smem:$0x3FB3] =	sst s9;
	s0 =	simm.s32 @!p0 $0x0  }
0x12: {  	s1 =	sld [smem:$0x3F99];
	s0 =	simm.s32 @p0 $0x1  }
0x13: {  	[smem:$0x3FB4] =	sst s0;
	s0 =	simm.s32 @!p1 $0x0  }
0x14: {  	s2 =	sld [smem:$0x3F98];
	s0 =	simm.s32 @p1 $0x1  }
0x15: {  	[smem:$0x3FB5] =	sst s0;
	s0 =	simm.s32 @!p2 $0x0  }
0x16: {  	s3 =	sld [smem:$0x3FDB];
	s0 =	simm.s32 @p2 $0x1  }
0x17: {  	s4 =	simm.s32 $0x1BF5;
	[smem:$0x3FB7] =	sst s0  }
0x18: {  	s0 =	sld [smem:$0x3F9A];
	_ =	swait.ge [sflag:s4], $0x0  }
0x19: {  	s7 =	sld [smem:$0x3F9B]  }
0x1a: {  	s8 =	sadd.s32 $0xFFFFE003, lr  }
0x1b: {  	s9 =	sadd.s32 $0xFFFFFEF7, lr;
	s5 =	simm.s32 $0xFFFFFFFF;
	p2 =	slt.u32 s8, $0xFFFFF086  }
0x1c: {  	p1 =	slt.u32 s9, $0xF7A;
	s5 =	simm.s32 @!p2 $0x0  }
0x1d: {  	s5 =	simm.s32 @p1 $0x1;
	p0 =	seq.s32 s7, s2  }
0x1e: {  	s7 =	smul.u32 @!p0 $0xF7A, s2;
	p2 =	seq.s32 @!p0 s5, $0x0  }
0x1f: {  	s9 =	smul.u32 $0xF7A, s1;
	s8 =	simm.s32 @!p0 $0x1BF5;
	p2 =	por !p2, p0  }
0x20: {  	[sflag:s8] =	ssyncset.s32 @!p0 $0xFFFFF086;
	s6 =	sadd.s32 @!p0 s3, s7;
	s7 =	simm.s32 @!p0 $0x108  }
0x21: {  	s3 =	sadd.s32 s3, s9;
	s6 =	sadd.s32 @!p0 $0x88, s6;
	s7 =	simm.s32 @p2 $0x1082  }
0x22: {  	[simem:s7], [sflag:s8] =	dma.local @!p0 [hbm:s6], $0xF7A  }
0x23: {  	s9 =	sor.u32 $0xD0000000, s2;
	s6 =	simm.s32 $0x108;
	_ =	swait.ge @!p0 [sflag:s8], $0x0  }
0x24: {  	s3 =	sadd.s32 $0x88, s3;
	s6 =	simm.s32 @!p1 $0x1082;
	[sflag:s4] =	ssyncset.s32 $0xFFFFF086  }
0x25: {  	[simem:s6], [sflag:s4] =	dma.local [hbm:s3], $0xF7A  }
0x26: {  	[smem:$0x3F9B] =	sst s1;
	(tag) =	ssettag s2;
	_ =	strace s9  }
0x27: {  	s1 =	sld [smem:$0x3FAB]  }
0x28: {  	s2 =	sld [smem:$0x3FAC]  }
0x29: {  	s4 =	sld [smem:$0x3FAE]  }
0x2a: {  	p0 =	seq.s32 s5, $0x0;
	s5 =	sld [smem:$0x3FAF]  }
0x2b: {  	s6 =	sld [smem:$0x3FB0]  }
0x2c: {  	s7 =	sld [smem:$0x3FB1]  }
0x2d: {  	s3 =	simm.s32 $0x108;
	s8 =	sld [smem:$0x3FB2]  }
0x2e: {  	s3 =	simm.s32 @!p0 $0x1082;
	s9 =	sld [smem:$0x3FB3]  }
0x2f: {  	lr =	sadd.s32 s0, s3;
	s0 =	sld [smem:$0x3FAA]  }
0x30: {  	s3 =	sld [smem:$0x3FAD]  }
0x31: {  	[smem:$0x3FB6] =	sst s10  }
0x32: {  	s10 =	sld [smem:$0x3FB4];
	_ =	sdelay $0x3  }
0x33: {  	p0 =	seq.s32 s10, $0x1;
	s10 =	sld [smem:$0x3FB6];
	_ =	sdelay $0x3  }
0x34: {  	[smem:$0x3FB6] =	sst s10  }
0x35: {  	s10 =	sld [smem:$0x3FB5];
	_ =	sdelay $0x3  }
0x36: {  	p1 =	seq.s32 s10, $0x1;
	s10 =	sld [smem:$0x3FB6];
	_ =	sdelay $0x3  }
0x37: {  	[smem:$0x3FB6] =	sst s10  }
0x38: {  	s10 =	sld [smem:$0x3FB7]  }
0x39: {  	_ = 	snop;
	(pc) =	sbr.ind lr, $3  }
0x3a: {  	_ = 	snop  }
0x3b: {  	_ = 	snop  }
0x3c: {  	p2 =	seq.s32 s10, $0x1;
	s10 =	sld [smem:$0x3FB6]  }
0x3d: {  	_ =	shalt  }
0x3e: {  	_ =	shalt  }
0x3f: {  	_ =	shalt  }
0x40: {  	_ =	shalt  }
0x41: {  	_ =	shalt  }
0x42: {  	_ =	shalt  }
0x43: {  	_ =	shalt  }
0x44: {  	_ =	shalt  }
0x45: {  	_ =	shalt  }
0x46: {  	_ =	shalt  }
0x47: {  	_ =	shalt  }
0x48: {  	_ =	shalt  }
0x49: {  	_ =	shalt  }
0x4a: {  	_ =	shalt  }
0x4b: {  	_ =	shalt  }
0x4c: {  	_ =	shalt  }
0x4d: {  	_ =	shalt  }
0x4e: {  	_ =	shalt  }
0x4f: {  	_ =	shalt  }
0x50: {  	_ =	shalt  }
0x51: {  	_ =	shalt  }
0x52: {  	_ =	shalt  }
0x53: {  	_ =	shalt  }
0x54: {  	_ =	shalt  }
0x55: {  	_ =	shalt  }
0x56: {  	_ =	shalt  }
0x57: {  	_ =	shalt  }
0x58: {  	_ =	shalt  }
0x59: {  	_ =	shalt  }
0x5a: {  	_ =	shalt  }
0x5b: {  	_ =	shalt  }
0x5c: {  	_ =	shalt  }
0x5d: {  	_ =	shalt  }
0x5e: {  	_ =	shalt  }
0x5f: {  	_ =	shalt  }
0x60: {  	_ =	shalt  }
0x61: {  	_ =	shalt  }
0x62: {  	_ =	shalt  }
0x63: {  	_ =	shalt  }
0x64: {  	_ =	shalt  }
0x65: {  	_ =	shalt  }
0x66: {  	_ =	shalt  }
0x67: {  	_ =	shalt  }
0x68: {  	_ =	shalt  }
0x69: {  	_ =	shalt  }
0x6a: {  	_ =	shalt  }
0x6b: {  	_ =	shalt  }
0x6c: {  	_ =	shalt  }
0x6d: {  	_ =	shalt  }
0x6e: {  	_ =	shalt  }
0x6f: {  	_ =	shalt  }
0x70: {  	_ =	shalt  }
0x71: {  	_ =	shalt  }
0x72: {  	_ =	shalt  }
0x73: {  	_ =	shalt  }
0x74: {  	_ =	shalt  }
0x75: {  	_ =	shalt  }
0x76: {  	_ =	shalt  }
0x77: {  	_ =	shalt  }
0x78: {  	_ =	shalt  }
0x79: {  	_ =	shalt  }
0x7a: {  	_ =	shalt  }
0x7b: {  	_ =	shalt  }
0x7c: {  	_ =	shalt  }
0x7d: {  	_ =	shalt  }
0x7e: {  	_ =	shalt  }
0x7f: {  	_ =	shalt  }
0x80: {  	_ =	shalt  }
0x81: {  	_ =	shalt  }
0x82: {  	_ =	shalt  }
0x83: {  	_ =	shalt  }
0x84: {  	_ =	shalt  }
0x85: {  	_ =	shalt  }
0x86: {  	_ =	shalt  }
0x87: {  	_ =	shalt  }
.Lfunc_end0:
.L_simem_size_0:
called_computation.1_lowered:
.L_overlay_start_0:
0x88: {  	s2 =	sld [smem:$0x3FD9]  }
0x89: {  	s3 =	sld [smem:$0x3FFE];
	_ =	sdelay $0x1  }
0x8a: {  	s1 =	srdreg.scid  }
0x8b: {  	s0 =	sand.u32 $0x1, s1  }
0x8c: {  	s16 =	sshll.u32 s0, $0xA;
	s2 =	sadd.s32 s3, s2  }
0x8d: {  	s2 =	sadd.s32 s2, s16  }
0x8e: {  	[smem:$0x3FC2] =	sst s2  }
0x8f: {  	_ = 	snop  }
0x90: {  	(tm) =	ssettm $0x1  }
0x91: {  	s17 =	sld [smem:$0x3FFB];
	_ =	sdelay $0x3  }
0x92: {  	_ =	strace s17  }
0x93: {  	s2 =	sld [smem:$0x3FFC];
	_ =	sdelay $0x3  }
0x94: {  	_ =	strace s2  }
0x95: {  	s2 =	sld [smem:$0x3FFD];
	_ =	sdelay $0x3  }
0x96: {  	_ =	strace s2  }
0x97: {  	_ =	strace $0x8FFFFFFF  }
0x98: {  	s18 =	sld [smem:$0x3FDB];
	_ =	sdelay $0x1  }
0x99: {  	s19 =	simm.s32 $_scs_section_size  }
0x9a: {  	s4 =	simm.s32 $_size__tile_overlayer_lowered;
	s5 =	simm.s32 $_tile_overlayer_lowered  }
0x9b: {  	s22 =	simm.s32 $0x1BFF;
	s21 =	sshll.u32 s5, $0x1;
	s2 =	sadd.s32 s19, s18  }
0x9c: {  	s6 =	simm.s32 $0x0;
	s20 =	sshll.u32 s4, $0x1;
	s4 =	sadd.s32 s21, s2  }
0x9d: {  	[timem:s6], [sflag:s22] =	dma.local [hbm:s4], s20  }
0x9e: {  	_ =	swait.ge [sflag:s22], s20  }
0x9f: {  	s3 =	ssub.s32 $0x0, s20;
	[sflag:s22] =	ssyncset.done $0x0  }
0xa0: {  	[sflag:s22] =	ssyncadd.s32 s3;
	_ =	sdelay $0x1  }
0xa1: {  	s23 =	simm.s32 $0x1B8B  }
0xa2: {  	_ =	swait.ge [sflag:s23], $0x1  }
0xa3: {  	[sflag:s23] =	ssyncset.done $0x0  }
0xa4: {  	s25 =	simm.s32 $0x1B8E;
	s24 =	sld [smem:$0x3FFE];
	[sflag:s23] =	ssyncadd.s32 $0xFFFFFFFF  }
0xa5: {  	s26 =	simm.s32 $execute0_lowered;
	[smem:$0x3FD2] =	sst s25  }
0xa6: {  	s4 =	sshll.u32 s26, $0x1;
	_ =	strace $0x80000049;
	[dreg:$0x1] =	wrdreg $0xFFFFFFFF  }
0xa7: {  	s28 =	simm.s32 $_size_execute0_lowered;
	s2 =	sadd.s32 s2, s4;
	[dreg:$0x0] =	wrdreg $0x0  }
0xa8: {  	s4 =	sshll.u32 s28, $0x1;
	[dreg:$0x2] =	wrdreg s2  }
0xa9: {  	[dreg:$0x3] =	wrdreg s4  }
0xaa: {  	[dreg:$0x4] =	wrdreg $0xC0  }
0xab: {  	_ =	task [dreg:s6], $0x5FFFF  }
0xac: {  	[dreg:$0x1] =	wrdreg $0xFFFFFFFF  }
0xad: {  	[dreg:$0x0] =	wrdreg $0x60  }
0xae: {  	[dreg:$0x2] =	wrdreg s24  }
0xaf: {  	[dreg:$0x3] =	wrdreg $0x9  }
0xb0: {  	_ =	task.clear_ibuf [dreg:s6], $0x4FFFF;
	_ =	strace $0x90000049  }
0xb1: {  	s29 =	simm.s32 $0x9;
	_ =	strace $0x8000004B  }
0xb2: {  	_ =	swait.ge [sflag:s29], $0x1  }
0xb3: {  	[sflag:s29] =	ssyncadd.s32 $0xFFFFFFFF  }
0xb4: {  	_ =	strace $0x9000004B  }
0xb5: {  	_ =	sfence  }
0xb6: {  	s30 =	sld [smem:$0x0];
	_ =	sdelay $0x2  }
0xb7: {  	s31 =	sshll.u32 s1, $0xD;
	s1 =	sshrl.u32 s1, $0x2  }
0xb8: {  	s3 =	sand.u32 $0x4000, s31;
	s1 =	sadd.s32 s1, s30  }
0xb9: {  	s0 =	sor.u32 s3, s0;
	s1 =	sshll.u32 s1, $0x11  }
0xba: {  	s0 =	sor.u32 s1, s0  }
0xbb: {  	s0 =	sadd.s32 $0x8F2B, s0  }
0xbc: {  	[sflag:s0] =	ssyncadd.remote.s32 $0x1  }
0xbd: {  	_ =	sfence.sel $0xFFFF  }
0xbe: {  	[dreg:$0x0] =	wrdreg $0xFFFFFFFF;
	(pc) =	sbr.abs _section_cstart, $3  }
0xbf: {  	[dreg:$0x1] =	wrdreg $0xFFFFFFFF  }
0xc0: {  	_ =	task.clear_ibuf [dreg:s6], $0x2FFFF;
	_ =	strace $0x9FFFFFFF  }
0xc1: {  	(tm) =	ssettm $0x7FFFFFFF  }
tec
execute0_lowered:
.L_overlay_start_1:
0x0: {  	(tag) =	ssettag $0x1  }
0x1: {  	s0 =	srdreg.scid  }
0x2: {  	s5 =	rddreg [dreg:$0x0];
	s1 =	stileid.u32;
	s2 =	simm.s32 $0x0  }
0x3: {  	s8 =	simm.s32 $0x1;
	s9 =	simm.s32 $0xA000;
	s4 =	sand.u32 $0x1, s0  }
0x4: {  	s10 =	simm.s32 $0xC710;
	s11 =	simm.s32 $0x5000;
	s3 =	sshll.u32 s4, $0x4  }
0x5: {  	s12 =	simm.s32 $0x0;
	s0 =	rddreg [dreg:$0x1];
	s3 =	sor.u32 s1, s3  }
0x6: {  	[smem:$0x7FF] =	sst s2;
	s7 =	ssub.s32 $0x2, s4;
	s6 =	smul.u32 $0xA00, s3  }
0x7: {  	_ =	strace $0x8000004A;
	s4 =	sadd.s32 $0xAE00, s5;
	s31 =	sshrl.u32 s7, $0x1  }
0x8: {  	s3 =	sadd.s32 $0x1000, s5;
	s7 =	ssub.s32 s7, s31;
	s6 =	sadd.s32 s6, s5  }
0x9: {  	v0 =	vimm.f32 $0.0e+00;
	s7 =	smax.u32 s7, $0x1;
	s5 =	sadd.s32 $0x14C00, s6;
	s6 =	sadd.s32 $0x28C00, s6  }
.LBB2_1:
0xa: {  	[tilespmem:s2], [sflag:$0x1] =	stream.linear.gather [hbm4b:s5+s2], $0x5000, $0x38;
	[tilespmem:$0xEE20] =	vst v63  }
0xb: {  	_ =	swait.ge [sflag:s8], $0x5000  }
0xc: {  	[sflag:s8] =	ssyncset.done $0x0  }
0xd: {  	s13 =	simm.s32 $0x40;
	s14 =	simm.s32 $0x0;
	[sflag:s8] =	ssyncadd.s32 $0xFFFFB000  }
.LBB2_2:
0xe: {  	p0 =	sne.s32 s13, $0x13FC0;
	[tilespmem:s14+$0x5000] =	vst v0;
	s14 =	smov.u32 s13;
	s13 =	sadd.s32 $0x40, s13  }
.Ltmp0:
0xf: {  	(pc) =	sbr.rel @p0 .LBB2_2-.Ltmp0, $2  }
0x10: {  	_ =	sdelay $0x2  }
0x11: {  	s14 =	sshra.s32 s14, $0x2  }
0x12: {  	[tilespmem:s14+$0x5000] =	vst v0;
	s13 =	simm.s32 $0x0;
	s14 =	simm.s32 $0x0  }
.LBB2_4:
0x13: {  	s15 =	smul.u32 $0x4E2, s14;
	_ =	sdelay $0x1  }
0x14: {  	s16 =	sadd.s32 s3, s15  }
0x15: {  	[tilespmem:s9], [sflag:$0x1] =	stream.linear.gather [hbm4b:s16+s13], $0x2710, $0x38;
	[tilespmem:$0xEE20] =	vst v63  }
0x16: {  	_ =	swait.ge [sflag:s8], $0x2710  }
0x17: {  	[sflag:s8] =	ssyncset.done $0x0  }
0x18: {  	s15 =	sadd.s32 s4, s15;
	[sflag:s8] =	ssyncadd.s32 $0xFFFFD8F0  }
0x19: {  	[tilespmem:s10], [sflag:$0x1] =	stream.linear.gather [hbm4b:s15+s13], $0x2710, $0x38;
	[tilespmem:$0xEE20] =	vst v63  }
0x1a: {  	_ =	swait.ge [sflag:s8], $0x2710  }
0x1b: {  	[sflag:s8] =	ssyncset.done $0x0  }
0x1c: {  	s16 =	simm.s32 $0x0;
	s15 =	simm.s32 $0x40;
	[sflag:s8] =	ssyncadd.s32 $0xFFFFD8F0  }
.LBB2_5:
0x1d: {  	p0 =	sne.s32 s15, $0x9C00;
	v1 =	vld [tilespmem:s16+$0xA000]  }
0x1e: {  	v2 =	vld [tilespmem:s16+$0xC710];
	_ =	sdelay $0x6  }
0x1f: {  	v3 =	vld.idx.msk [tilespmem:v1+s2+$0x0], $0xffff;
	_ =	sdelay $0x1  }
0x20: {  	v1 =	vadd.s32 $0x2800, v1;
	_ =	sdelay $0x3  }
0x21: {  	[tilespmem:v2+s11+$0x0] =	vst.idx.add.f32.msk $0xffff, v3  }
0x22: {  	v1 =	vld.idx.msk [tilespmem:v1+s2+$0x0], $0xffff  }
0x23: {  	v2 =	vadd.s32 $0x2800, v2  }
.Ltmp1:
0x24: {  	(pc) =	sbr.rel @p0 .LBB2_5-.Ltmp1, $2  }
0x25: {  	_ =	sdelay $0x2  }
0x26: {  	s16 =	sshra.s32 s15, $0x2;
	s15 =	sadd.s32 $0x40, s15;
	[tilespmem:v2+s11+$0x0] =	vst.idx.add.f32.msk $0xffff, v1  }
0x27: {  	v1 =	vld [tilespmem:s16+$0xA000];
	_ =	sdelay $0x4  }
0x28: {  	v2 =	vld [tilespmem:s16+$0xC710];
	_ =	sdelay $0x2  }
0x29: {  	v3 =	vld.idx.msk [tilespmem:v1+s2+$0x0], $0xffff  }
0x2a: {  	v1 =	vadd.s32 $0x2800, v1;
	_ =	sdelay $0x3  }
0x2b: {  	s14 =	sadd.s32 $0x1, s14;
	[tilespmem:v2+s11+$0x0] =	vst.idx.add.f32.msk $0xffff, v3  }
0x2c: {  	p0 =	sne.s32 s14, $0x20;
	v2 =	vadd.s32 $0x2800, v2;
	v1 =	vld.idx.msk [tilespmem:v1+s2+$0x0], $0xffff  }
.Ltmp2:
0x2d: {  	_ = 	snop;
	(pc) =	sbr.rel @p0 .LBB2_4-.Ltmp2, $2  }
0x2e: {  	_ =	sdelay $0x2  }
0x2f: {  	[tilespmem:v2+s11+$0x0] =	vst.idx.add.f32.msk $0xffff, v1  }
0x30: {  	s12 =	sadd.s32 $0x1, s12  }
0x31: {  	p0 =	sne.s32 s12, s7  }
.Ltmp3:
0x32: {  	_ = 	snop;
	(pc) =	sbr.rel @p0 .LBB2_1-.Ltmp3, $4  }
0x33: {  	[hbm4b:s6+s2] =	stream.linear.scatter [tilespmem:s11], [sflag:$0x1], $0x5000, $0x38;
	[tilespmem:$0xEE20] =	vst v63  }
0x34: {  	_ =	swait.ge [sflag:s8], $0x5000  }
0x35: {  	[sflag:s8] =	ssyncset.done $0x0  }
0x36: {  	[sflag:s8] =	ssyncadd.s32 $0xFFFFB000  }
0x37: {  	_ =	sfence.sel $0x180000  }
0x38: {  	[bflag:$0x0] =	sbarrier.arrive $0xFFFF  }
0x39: {  	p0 =	sne.s32 s1, $0x0;
	_ =	strace $0x9000004A  }
0x3a: {  	s0 =	sadd.s32 @!p0 $0x100000, s0;
	[bflag:$0x2] =	sbarrier.arrive $0xFFFF  }
0x3b: {  	[sflag:s0] =	ssyncadd.tile.s32 @!p0 $0x1;
	_ =	shalt  }
.Lfunc_end2:
_tile_overlayer_lowered:
.L_overlay_start_2:
0x3c: {  	(tag) =	ssettag $0x2  }
0x3d: {  	s0 =	rddreg [dreg:$0x0];
	s2 =	stileid.u32  }
0x3e: {  	s1 =	rddreg [dreg:$0x1];
	p0 =	sne.s32 s2, $0x0  }
0x3f: {  	s3 =	rddreg [dreg:$0x2];
	[bflag:$0x3] =	sbarrier.arrive $0xFFFF;
	s2 =	simm.s32 @!p0 $0x1C01  }
0x40: {  	[timem:s3], [sflag:s2] =	dma.local @!p0 [hbm:s0], s1  }
0x41: {  	s0 =	simm.s32 @!p0 $0x1  }
0x42: {  	_ =	swait.ge @!p0 [sflag:s0], s1  }
0x43: {  	s1 =	ssub.s32 @!p0 $0x0, s1;
	[sflag:s0] =	ssyncset.done @!p0 $0x0  }
0x44: {  	[sflag:s0] =	ssyncadd.s32 @!p0 s1  }
0x45: {  	[bflag:$0x3] =	sbarrier.arrive $0xFFFF  }
0x46: {  	_ =	shalt  }

// kernel: kernel.14.cloned.1.call-start
scs
__scs_entry_jumppad:
0x0: {  	(pc) =	sbr.rel $0x88, $3  }
0x1: {  	(tag) =	ssettag $0x0;
	lr =	simm.s32 $0x1  }
0x2: {  	[smem:$0x3F9B] =	sst lr;
	_ =	strace $0xD0000000  }
0x3: {  	_ = 	snop  }
0x4: {  	_ = 	snop  }
0x5: {  	_ = 	snop  }
0x6: {  	_ = 	snop  }
0x7: {  	_ = 	snop  }
__scs_overlays_trampoline_lowered:
0x8: {  	[smem:$0x3FAA] =	sst s0  }
0x9: {  	[smem:$0x3FAB] =	sst s1  }
0xa: {  	[smem:$0x3FAC] =	sst s2  }
0xb: {  	[smem:$0x3FAD] =	sst s3  }
0xc: {  	[smem:$0x3FAE] =	sst s4  }
0xd: {  	[smem:$0x3FAF] =	sst s5  }
0xe: {  	[smem:$0x3FB0] =	sst s6  }
0xf: {  	[smem:$0x3FB1] =	sst s7  }
0x10: {  	[smem:$0x3FB2] =	sst s8  }
0x11: {  	[smem:$0x3FB3] =	sst s9;
	s0 =	simm.s32 @!p0 $0x0  }
0x12: {  	s1 =	sld [smem:$0x3F99];
	s0 =	simm.s32 @p0 $0x1  }
0x13: {  	[smem:$0x3FB4] =	sst s0;
	s0 =	simm.s32 @!p1 $0x0  }
0x14: {  	s2 =	sld [smem:$0x3F98];
	s0 =	simm.s32 @p1 $0x1  }
0x15: {  	[smem:$0x3FB5] =	sst s0;
	s0 =	simm.s32 @!p2 $0x0  }
0x16: {  	s3 =	sld [smem:$0x3FDB];
	s0 =	simm.s32 @p2 $0x1  }
0x17: {  	s4 =	simm.s32 $0x1BF5;
	[smem:$0x3FB7] =	sst s0  }
0x18: {  	s0 =	sld [smem:$0x3F9A];
	_ =	swait.ge [sflag:s4], $0x0  }
0x19: {  	s7 =	sld [smem:$0x3F9B]  }
0x1a: {  	s8 =	sadd.s32 $0xFFFFE003, lr  }
0x1b: {  	s9 =	sadd.s32 $0xFFFFFEF7, lr;
	s5 =	simm.s32 $0xFFFFFFFF;
	p2 =	slt.u32 s8, $0xFFFFF086  }
0x1c: {  	p1 =	slt.u32 s9, $0xF7A;
	s5 =	simm.s32 @!p2 $0x0  }
0x1d: {  	s5 =	simm.s32 @p1 $0x1;
	p0 =	seq.s32 s7, s2  }
0x1e: {  	s7 =	smul.u32 @!p0 $0xF7A, s2;
	p2 =	seq.s32 @!p0 s5, $0x0  }
0x1f: {  	s9 =	smul.u32 $0xF7A, s1;
	s8 =	simm.s32 @!p0 $0x1BF5;
	p2 =	por !p2, p0  }
0x20: {  	[sflag:s8] =	ssyncset.s32 @!p0 $0xFFFFF086;
	s6 =	sadd.s32 @!p0 s3, s7;
	s7 =	simm.s32 @!p0 $0x108  }
0x21: {  	s3 =	sadd.s32 s3, s9;
	s6 =	sadd.s32 @!p0 $0x88, s6;
	s7 =	simm.s32 @p2 $0x1082  }
0x22: {  	[simem:s7], [sflag:s8] =	dma.local @!p0 [hbm:s6], $0xF7A  }
0x23: {  	s9 =	sor.u32 $0xD0000000, s2;
	s6 =	simm.s32 $0x108;
	_ =	swait.ge @!p0 [sflag:s8], $0x0  }
0x24: {  	s3 =	sadd.s32 $0x88, s3;
	s6 =	simm.s32 @!p1 $0x1082;
	[sflag:s4] =	ssyncset.s32 $0xFFFFF086  }
0x25: {  	[simem:s6], [sflag:s4] =	dma.local [hbm:s3], $0xF7A  }
0x26: {  	[smem:$0x3F9B] =	sst s1;
	(tag) =	ssettag s2;
	_ =	strace s9  }
0x27: {  	s1 =	sld [smem:$0x3FAB]  }
0x28: {  	s2 =	sld [smem:$0x3FAC]  }
0x29: {  	s4 =	sld [smem:$0x3FAE]  }
0x2a: {  	p0 =	seq.s32 s5, $0x0;
	s5 =	sld [smem:$0x3FAF]  }
0x2b: {  	s6 =	sld [smem:$0x3FB0]  }
0x2c: {  	s7 =	sld [smem:$0x3FB1]  }
0x2d: {  	s3 =	simm.s32 $0x108;
	s8 =	sld [smem:$0x3FB2]  }
0x2e: {  	s3 =	simm.s32 @!p0 $0x1082;
	s9 =	sld [smem:$0x3FB3]  }
0x2f: {  	lr =	sadd.s32 s0, s3;
	s0 =	sld [smem:$0x3FAA]  }
0x30: {  	s3 =	sld [smem:$0x3FAD]  }
0x31: {  	[smem:$0x3FB6] =	sst s10  }
0x32: {  	s10 =	sld [smem:$0x3FB4];
	_ =	sdelay $0x3  }
0x33: {  	p0 =	seq.s32 s10, $0x1;
	s10 =	sld [smem:$0x3FB6];
	_ =	sdelay $0x3  }
0x34: {  	[smem:$0x3FB6] =	sst s10  }
0x35: {  	s10 =	sld [smem:$0x3FB5];
	_ =	sdelay $0x3  }
0x36: {  	p1 =	seq.s32 s10, $0x1;
	s10 =	sld [smem:$0x3FB6];
	_ =	sdelay $0x3  }
0x37: {  	[smem:$0x3FB6] =	sst s10  }
0x38: {  	s10 =	sld [smem:$0x3FB7]  }
0x39: {  	_ = 	snop;
	(pc) =	sbr.ind lr, $3  }
0x3a: {  	_ = 	snop  }
0x3b: {  	_ = 	snop  }
0x3c: {  	p2 =	seq.s32 s10, $0x1;
	s10 =	sld [smem:$0x3FB6]  }
0x3d: {  	_ =	shalt  }
0x3e: {  	_ =	shalt  }
0x3f: {  	_ =	shalt  }
0x40: {  	_ =	shalt  }
0x41: {  	_ =	shalt  }
0x42: {  	_ =	shalt  }
0x43: {  	_ =	shalt  }
0x44: {  	_ =	shalt  }
0x45: {  	_ =	shalt  }
0x46: {  	_ =	shalt  }
0x47: {  	_ =	shalt  }
0x48: {  	_ =	shalt  }
0x49: {  	_ =	shalt  }
0x4a: {  	_ =	shalt  }
0x4b: {  	_ =	shalt  }
0x4c: {  	_ =	shalt  }
0x4d: {  	_ =	shalt  }
0x4e: {  	_ =	shalt  }
0x4f: {  	_ =	shalt  }
0x50: {  	_ =	shalt  }
0x51: {  	_ =	shalt  }
0x52: {  	_ =	shalt  }
0x53: {  	_ =	shalt  }
0x54: {  	_ =	shalt  }
0x55: {  	_ =	shalt  }
0x56: {  	_ =	shalt  }
0x57: {  	_ =	shalt  }
0x58: {  	_ =	shalt  }
0x59: {  	_ =	shalt  }
0x5a: {  	_ =	shalt  }
0x5b: {  	_ =	shalt  }
0x5c: {  	_ =	shalt  }
0x5d: {  	_ =	shalt  }
0x5e: {  	_ =	shalt  }
0x5f: {  	_ =	shalt  }
0x60: {  	_ =	shalt  }
0x61: {  	_ =	shalt  }
0x62: {  	_ =	shalt  }
0x63: {  	_ =	shalt  }
0x64: {  	_ =	shalt  }
0x65: {  	_ =	shalt  }
0x66: {  	_ =	shalt  }
0x67: {  	_ =	shalt  }
0x68: {  	_ =	shalt  }
0x69: {  	_ =	shalt  }
0x6a: {  	_ =	shalt  }
0x6b: {  	_ =	shalt  }
0x6c: {  	_ =	shalt  }
0x6d: {  	_ =	shalt  }
0x6e: {  	_ =	shalt  }
0x6f: {  	_ =	shalt  }
0x70: {  	_ =	shalt  }
0x71: {  	_ =	shalt  }
0x72: {  	_ =	shalt  }
0x73: {  	_ =	shalt  }
0x74: {  	_ =	shalt  }
0x75: {  	_ =	shalt  }
0x76: {  	_ =	shalt  }
0x77: {  	_ =	shalt  }
0x78: {  	_ =	shalt  }
0x79: {  	_ =	shalt  }
0x7a: {  	_ =	shalt  }
0x7b: {  	_ =	shalt  }
0x7c: {  	_ =	shalt  }
0x7d: {  	_ =	shalt  }
0x7e: {  	_ =	shalt  }
0x7f: {  	_ =	shalt  }
0x80: {  	_ =	shalt  }
0x81: {  	_ =	shalt  }
0x82: {  	_ =	shalt  }
0x83: {  	_ =	shalt  }
0x84: {  	_ =	shalt  }
0x85: {  	_ =	shalt  }
0x86: {  	_ =	shalt  }
0x87: {  	_ =	shalt  }
.Lfunc_end0:
.L_simem_size_0:
called_computation.2_lowered:
.L_overlay_start_0:
0x88: {  	s2 =	sld [smem:$0x3FD9]  }
0x89: {  	s3 =	sld [smem:$0x3FFE];
	_ =	sdelay $0x1  }
0x8a: {  	s1 =	srdreg.scid  }
0x8b: {  	s0 =	sand.u32 $0x1, s1  }
0x8c: {  	s16 =	sshll.u32 s0, $0xA;
	s2 =	sadd.s32 s3, s2  }
0x8d: {  	s2 =	sadd.s32 s2, s16  }
0x8e: {  	[smem:$0x3FC2] =	sst s2  }
0x8f: {  	_ = 	snop  }
0x90: {  	(tm) =	ssettm $0x1  }
0x91: {  	s17 =	sld [smem:$0x3FFB];
	_ =	sdelay $0x3  }
0x92: {  	_ =	strace s17  }
0x93: {  	s2 =	sld [smem:$0x3FFC];
	_ =	sdelay $0x3  }
0x94: {  	_ =	strace s2  }
0x95: {  	s2 =	sld [smem:$0x3FFD];
	_ =	sdelay $0x3  }
0x96: {  	_ =	strace s2  }
0x97: {  	_ =	strace $0x8FFFFFFF  }
0x98: {  	s18 =	sld [smem:$0x3FDB];
	_ =	sdelay $0x1  }
0x99: {  	s19 =	simm.s32 $_scs_section_size  }
0x9a: {  	s4 =	simm.s32 $_size__tile_overlayer_lowered;
	s5 =	simm.s32 $_tile_overlayer_lowered  }
0x9b: {  	s22 =	simm.s32 $0x1BFF;
	s21 =	sshll.u32 s5, $0x1;
	s2 =	sadd.s32 s19, s18  }
0x9c: {  	s6 =	simm.s32 $0x0;
	s20 =	sshll.u32 s4, $0x1;
	s4 =	sadd.s32 s21, s2  }
0x9d: {  	[timem:s6], [sflag:s22] =	dma.local [hbm:s4], s20  }
0x9e: {  	_ =	swait.ge [sflag:s22], s20  }
0x9f: {  	s3 =	ssub.s32 $0x0, s20;
	[sflag:s22] =	ssyncset.done $0x0  }
0xa0: {  	[sflag:s22] =	ssyncadd.s32 s3;
	_ =	sdelay $0x1  }
0xa1: {  	s23 =	simm.s32 $0x1B8B  }
0xa2: {  	_ =	swait.ge [sflag:s23], $0x1  }
0xa3: {  	[sflag:s23] =	ssyncset.done $0x0  }
0xa4: {  	s25 =	simm.s32 $0x1B8E;
	s24 =	sld [smem:$0x3FFE];
	[sflag:s23] =	ssyncadd.s32 $0xFFFFFFFF  }
0xa5: {  	s26 =	simm.s32 $execute0_lowered;
	[smem:$0x3FD2] =	sst s25  }
0xa6: {  	s4 =	sshll.u32 s26, $0x1;
	_ =	strace $0x8000004C;
	[dreg:$0x1] =	wrdreg $0xFFFFFFFF  }
0xa7: {  	s28 =	simm.s32 $_size_execute0_lowered;
	s2 =	sadd.s32 s2, s4;
	[dreg:$0x0] =	wrdreg $0x0  }
0xa8: {  	s4 =	sshll.u32 s28, $0x1;
	[dreg:$0x2] =	wrdreg s2  }
0xa9: {  	[dreg:$0x3] =	wrdreg s4  }
0xaa: {  	[dreg:$0x4] =	wrdreg $0xC0  }
0xab: {  	_ =	task [dreg:s6], $0x5FFFF  }
0xac: {  	[dreg:$0x1] =	wrdreg $0xFFFFFFFF  }
0xad: {  	[dreg:$0x0] =	wrdreg $0x60  }
0xae: {  	[dreg:$0x2] =	wrdreg s24  }
0xaf: {  	[dreg:$0x3] =	wrdreg $0x9  }
0xb0: {  	_ =	task.clear_ibuf [dreg:s6], $0x4FFFF;
	_ =	strace $0x9000004C  }
0xb1: {  	s29 =	simm.s32 $0x9;
	_ =	strace $0x8000004E  }
0xb2: {  	_ =	swait.ge [sflag:s29], $0x1  }
0xb3: {  	[sflag:s29] =	ssyncadd.s32 $0xFFFFFFFF  }
0xb4: {  	_ =	strace $0x9000004E  }
0xb5: {  	_ =	sfence  }
0xb6: {  	s30 =	sld [smem:$0x0];
	_ =	sdelay $0x2  }
0xb7: {  	s31 =	sshll.u32 s1, $0xD;
	s1 =	sshrl.u32 s1, $0x2  }
0xb8: {  	s3 =	sand.u32 $0x4000, s31;
	s1 =	sadd.s32 s1, s30  }
0xb9: {  	s0 =	sor.u32 s3, s0;
	s1 =	sshll.u32 s1, $0x11  }
0xba: {  	s0 =	sor.u32 s1, s0  }
0xbb: {  	s0 =	sadd.s32 $0x8F2B, s0  }
0xbc: {  	[sflag:s0] =	ssyncadd.remote.s32 $0x1  }
0xbd: {  	_ =	sfence.sel $0xFFFF  }
0xbe: {  	[dreg:$0x0] =	wrdreg $0xFFFFFFFF;
	(pc) =	sbr.abs _section_cstart, $3  }
0xbf: {  	[dreg:$0x1] =	wrdreg $0xFFFFFFFF  }
0xc0: {  	_ =	task.clear_ibuf [dreg:s6], $0x2FFFF;
	_ =	strace $0x9FFFFFFF  }
0xc1: {  	(tm) =	ssettm $0x7FFFFFFF  }
tec
execute0_lowered:
.L_overlay_start_1:
0x0: {  	(tag) =	ssettag $0x1  }
0x1: {  	s0 =	srdreg.scid  }
0x2: {  	s5 =	rddreg [dreg:$0x0];
	s1 =	stileid.u32;
	s2 =	simm.s32 $0x0  }
0x3: {  	s8 =	simm.s32 $0x1;
	s9 =	simm.s32 $0x5000;
	s4 =	sand.u32 $0x1, s0  }
0x4: {  	s10 =	simm.s32 $0x7710;
	s11 =	simm.s32 $0x2800;
	s3 =	sshll.u32 s4, $0x4  }
0x5: {  	s12 =	simm.s32 $0x0;
	s0 =	rddreg [dreg:$0x1];
	s3 =	sor.u32 s1, s3  }
0x6: {  	[smem:$0x7FF] =	sst s2;
	s7 =	ssub.s32 $0x2, s4;
	s6 =	smul.u32 $0x500, s3  }
0x7: {  	_ =	strace $0x8000004D;
	s4 =	sadd.s32 $0xAE00, s5;
	s31 =	sshrl.u32 s7, $0x1  }
0x8: {  	s3 =	sadd.s32 $0x1000, s5;
	s7 =	ssub.s32 s7, s31;
	s6 =	sadd.s32 s6, s5  }
0x9: {  	v0 =	vimm.f32 $0.0e+00;
	s7 =	smax.u32 s7, $0x1;
	s5 =	sadd.s32 $0x14C00, s6;
	s6 =	sadd.s32 $0x1EC00, s6  }
.LBB2_1:
0xa: {  	[tilespmem:s2], [sflag:$0x1] =	stream.linear.gather [hbm4b:s5+s2], $0x2800, $0x38;
	[tilespmem:$0x9E20] =	vst v63  }
0xb: {  	_ =	swait.ge [sflag:s8], $0x2800  }
0xc: {  	[sflag:s8] =	ssyncset.done $0x0  }
0xd: {  	s13 =	simm.s32 $0x40;
	s14 =	simm.s32 $0x0;
	[sflag:s8] =	ssyncadd.s32 $0xFFFFD800  }
.LBB2_2:
0xe: {  	p0 =	sne.s32 s13, $0x9FC0;
	[tilespmem:s14+$0x2800] =	vst v0;
	s14 =	smov.u32 s13;
	s13 =	sadd.s32 $0x40, s13  }
.Ltmp0:
0xf: {  	(pc) =	sbr.rel @p0 .LBB2_2-.Ltmp0, $2  }
0x10: {  	_ =	sdelay $0x2  }
0x11: {  	s14 =	sshra.s32 s14, $0x2  }
0x12: {  	[tilespmem:s14+$0x2800] =	vst v0;
	s13 =	simm.s32 $0x0;
	s14 =	simm.s32 $0x0  }
.LBB2_4:
0x13: {  	s15 =	smul.u32 $0x4E2, s14;
	_ =	sdelay $0x1  }
0x14: {  	s16 =	sadd.s32 s3, s15  }
0x15: {  	[tilespmem:s9], [sflag:$0x1] =	stream.linear.gather [hbm4b:s16+s13], $0x2710, $0x38;
	[tilespmem:$0x9E20] =	vst v63  }
0x16: {  	_ =	swait.ge [sflag:s8], $0x2710  }
0x17: {  	[sflag:s8] =	ssyncset.done $0x0  }
0x18: {  	s15 =	sadd.s32 s4, s15;
	[sflag:s8] =	ssyncadd.s32 $0xFFFFD8F0  }
0x19: {  	[tilespmem:s10], [sflag:$0x1] =	stream.linear.gather [hbm4b:s15+s13], $0x2710, $0x38;
	[tilespmem:$0x9E20] =	vst v63  }
0x1a: {  	_ =	swait.ge [sflag:s8], $0x2710  }
0x1b: {  	[sflag:s8] =	ssyncset.done $0x0  }
0x1c: {  	s16 =	simm.s32 $0x0;
	s15 =	simm.s32 $0x40;
	[sflag:s8] =	ssyncadd.s32 $0xFFFFD8F0  }
.LBB2_5:
0x1d: {  	p0 =	sne.s32 s15, $0x9C00;
	v1 =	vld [tilespmem:s16+$0x5000];
	_ =	sdelay $0x5  }
0x1e: {  	v2 =	vld [tilespmem:s16+$0x7710];
	_ =	sdelay $0x1  }
0x1f: {  	v1 =	vld.idx.msk [tilespmem:v1+s2+$0x0], $0xffff;
	_ =	sdelay $0x1  }
.Ltmp1:
0x20: {  	(pc) =	sbr.rel @p0 .LBB2_5-.Ltmp1, $2  }
0x21: {  	_ =	sdelay $0x2  }
0x22: {  	s16 =	sshra.s32 s15, $0x2;
	s15 =	sadd.s32 $0x40, s15;
	[tilespmem:v2+s11+$0x0] =	vst.idx.add.f32.msk $0xffff, v1  }
0x23: {  	v1 =	vld [tilespmem:s16+$0x5000];
	_ =	sdelay $0x4  }
0x24: {  	v2 =	vld [tilespmem:s16+$0x7710];
	_ =	sdelay $0x1  }
0x25: {  	s14 =	sadd.s32 $0x1, s14  }
0x26: {  	p0 =	sne.s32 s14, $0x20;
	v1 =	vld.idx.msk [tilespmem:v1+s2+$0x0], $0xffff  }
.Ltmp2:
0x27: {  	_ = 	snop;
	(pc) =	sbr.rel @p0 .LBB2_4-.Ltmp2, $2  }
0x28: {  	_ =	sdelay $0x2  }
0x29: {  	[tilespmem:v2+s11+$0x0] =	vst.idx.add.f32.msk $0xffff, v1  }
0x2a: {  	s12 =	sadd.s32 $0x1, s12  }
0x2b: {  	p0 =	sne.s32 s12, s7  }
.Ltmp3:
0x2c: {  	_ = 	snop;
	(pc) =	sbr.rel @p0 .LBB2_1-.Ltmp3, $4  }
0x2d: {  	[hbm4b:s6+s2] =	stream.linear.scatter [tilespmem:s11], [sflag:$0x1], $0x2800, $0x38;
	[tilespmem:$0x9E20] =	vst v63  }
0x2e: {  	_ =	swait.ge [sflag:s8], $0x2800  }
0x2f: {  	[sflag:s8] =	ssyncset.done $0x0  }
0x30: {  	[sflag:s8] =	ssyncadd.s32 $0xFFFFD800  }
0x31: {  	_ =	sfence.sel $0x180000  }
0x32: {  	[bflag:$0x0] =	sbarrier.arrive $0xFFFF  }
0x33: {  	p0 =	sne.s32 s1, $0x0;
	_ =	strace $0x9000004D  }
0x34: {  	s0 =	sadd.s32 @!p0 $0x100000, s0;
	[bflag:$0x2] =	sbarrier.arrive $0xFFFF  }
0x35: {  	[sflag:s0] =	ssyncadd.tile.s32 @!p0 $0x1;
	_ =	shalt  }
.Lfunc_end2:
_tile_overlayer_lowered:
.L_overlay_start_2:
0x36: {  	(tag) =	ssettag $0x2  }
0x37: {  	s0 =	rddreg [dreg:$0x0];
	s2 =	stileid.u32  }
0x38: {  	s1 =	rddreg [dreg:$0x1];
	p0 =	sne.s32 s2, $0x0  }
0x39: {  	s3 =	rddreg [dreg:$0x2];
	[bflag:$0x3] =	sbarrier.arrive $0xFFFF;
	s2 =	simm.s32 @!p0 $0x1C01  }
0x3a: {  	[timem:s3], [sflag:s2] =	dma.local @!p0 [hbm:s0], s1  }
0x3b: {  	s0 =	simm.s32 @!p0 $0x1  }
0x3c: {  	_ =	swait.ge @!p0 [sflag:s0], s1  }
0x3d: {  	s1 =	ssub.s32 @!p0 $0x0, s1;
	[sflag:s0] =	ssyncset.done @!p0 $0x0  }
0x3e: {  	[sflag:s0] =	ssyncadd.s32 @!p0 s1  }
0x3f: {  	[bflag:$0x3] =	sbarrier.arrive $0xFFFF  }
0x40: {  	_ =	shalt  }

// kernel: kernel.8.cloned.1.call-start
scs
__scs_entry_jumppad:
0x0: {  	(pc) =	sbr.rel $0x88, $3  }
0x1: {  	(tag) =	ssettag $0x0;
	lr =	simm.s32 $0x1  }
0x2: {  	[smem:$0x3F9B] =	sst lr;
	_ =	strace $0xD0000000  }
0x3: {  	_ = 	snop  }
0x4: {  	_ = 	snop  }
0x5: {  	_ = 	snop  }
0x6: {  	_ = 	snop  }
0x7: {  	_ = 	snop  }
__scs_overlays_trampoline_lowered:
0x8: {  	[smem:$0x3FAA] =	sst s0  }
0x9: {  	[smem:$0x3FAB] =	sst s1  }
0xa: {  	[smem:$0x3FAC] =	sst s2  }
0xb: {  	[smem:$0x3FAD] =	sst s3  }
0xc: {  	[smem:$0x3FAE] =	sst s4  }
0xd: {  	[smem:$0x3FAF] =	sst s5  }
0xe: {  	[smem:$0x3FB0] =	sst s6  }
0xf: {  	[smem:$0x3FB1] =	sst s7  }
0x10: {  	[smem:$0x3FB2] =	sst s8  }
0x11: {  	[smem:$0x3FB3] =	sst s9;
	s0 =	simm.s32 @!p0 $0x0  }
0x12: {  	s1 =	sld [smem:$0x3F99];
	s0 =	simm.s32 @p0 $0x1  }
0x13: {  	[smem:$0x3FB4] =	sst s0;
	s0 =	simm.s32 @!p1 $0x0  }
0x14: {  	s2 =	sld [smem:$0x3F98];
	s0 =	simm.s32 @p1 $0x1  }
0x15: {  	[smem:$0x3FB5] =	sst s0;
	s0 =	simm.s32 @!p2 $0x0  }
0x16: {  	s3 =	sld [smem:$0x3FDB];
	s0 =	simm.s32 @p2 $0x1  }
0x17: {  	s4 =	simm.s32 $0x1BF5;
	[smem:$0x3FB7] =	sst s0  }
0x18: {  	s0 =	sld [smem:$0x3F9A];
	_ =	swait.ge [sflag:s4], $0x0  }
0x19: {  	s7 =	sld [smem:$0x3F9B]  }
0x1a: {  	s8 =	sadd.s32 $0xFFFFE003, lr  }
0x1b: {  	s9 =	sadd.s32 $0xFFFFFEF7, lr;
	s5 =	simm.s32 $0xFFFFFFFF;
	p2 =	slt.u32 s8, $0xFFFFF086  }
0x1c: {  	p1 =	slt.u32 s9, $0xF7A;
	s5 =	simm.s32 @!p2 $0x0  }
0x1d: {  	s5 =	simm.s32 @p1 $0x1;
	p0 =	seq.s32 s7, s2  }
0x1e: {  	s7 =	smul.u32 @!p0 $0xF7A, s2;
	p2 =	seq.s32 @!p0 s5, $0x0  }
0x1f: {  	s9 =	smul.u32 $0xF7A, s1;
	s8 =	simm.s32 @!p0 $0x1BF5;
	p2 =	por !p2, p0  }
0x20: {  	[sflag:s8] =	ssyncset.s32 @!p0 $0xFFFFF086;
	s6 =	sadd.s32 @!p0 s3, s7;
	s7 =	simm.s32 @!p0 $0x108  }
0x21: {  	s3 =	sadd.s32 s3, s9;
	s6 =	sadd.s32 @!p0 $0x88, s6;
	s7 =	simm.s32 @p2 $0x1082  }
0x22: {  	[simem:s7], [sflag:s8] =	dma.local @!p0 [hbm:s6], $0xF7A  }
0x23: {  	s9 =	sor.u32 $0xD0000000, s2;
	s6 =	simm.s32 $0x108;
	_ =	swait.ge @!p0 [sflag:s8], $0x0  }
0x24: {  	s3 =	sadd.s32 $0x88, s3;
	s6 =	simm.s32 @!p1 $0x1082;
	[sflag:s4] =	ssyncset.s32 $0xFFFFF086  }
0x25: {  	[simem:s6], [sflag:s4] =	dma.local [hbm:s3], $0xF7A  }
0x26: {  	[smem:$0x3F9B] =	sst s1;
	(tag) =	ssettag s2;
	_ =	strace s9  }
0x27: {  	s1 =	sld [smem:$0x3FAB]  }
0x28: {  	s2 =	sld [smem:$0x3FAC]  }
0x29: {  	s4 =	sld [smem:$0x3FAE]  }
0x2a: {  	p0 =	seq.s32 s5, $0x0;
	s5 =	sld [smem:$0x3FAF]  }
0x2b: {  	s6 =	sld [smem:$0x3FB0]  }
0x2c: {  	s7 =	sld [smem:$0x3FB1]  }
0x2d: {  	s3 =	simm.s32 $0x108;
	s8 =	sld [smem:$0x3FB2]  }
0x2e: {  	s3 =	simm.s32 @!p0 $0x1082;
	s9 =	sld [smem:$0x3FB3]  }
0x2f: {  	lr =	sadd.s32 s0, s3;
	s0 =	sld [smem:$0x3FAA]  }
0x30: {  	s3 =	sld [smem:$0x3FAD]  }
0x31: {  	[smem:$0x3FB6] =	sst s10  }
0x32: {  	s10 =	sld [smem:$0x3FB4];
	_ =	sdelay $0x3  }
0x33: {  	p0 =	seq.s32 s10, $0x1;
	s10 =	sld [smem:$0x3FB6];
	_ =	sdelay $0x3  }
0x34: {  	[smem:$0x3FB6] =	sst s10  }
0x35: {  	s10 =	sld [smem:$0x3FB5];
	_ =	sdelay $0x3  }
0x36: {  	p1 =	seq.s32 s10, $0x1;
	s10 =	sld [smem:$0x3FB6];
	_ =	sdelay $0x3  }
0x37: {  	[smem:$0x3FB6] =	sst s10  }
0x38: {  	s10 =	sld [smem:$0x3FB7]  }
0x39: {  	_ = 	snop;
	(pc) =	sbr.ind lr, $3  }
0x3a: {  	_ = 	snop  }
0x3b: {  	_ = 	snop  }
0x3c: {  	p2 =	seq.s32 s10, $0x1;
	s10 =	sld [smem:$0x3FB6]  }
0x3d: {  	_ =	shalt  }
0x3e: {  	_ =	shalt  }
0x3f: {  	_ =	shalt  }
0x40: {  	_ =	shalt  }
0x41: {  	_ =	shalt  }
0x42: {  	_ =	shalt  }
0x43: {  	_ =	shalt  }
0x44: {  	_ =	shalt  }
0x45: {  	_ =	shalt  }
0x46: {  	_ =	shalt  }
0x47: {  	_ =	shalt  }
0x48: {  	_ =	shalt  }
0x49: {  	_ =	shalt  }
0x4a: {  	_ =	shalt  }
0x4b: {  	_ =	shalt  }
0x4c: {  	_ =	shalt  }
0x4d: {  	_ =	shalt  }
0x4e: {  	_ =	shalt  }
0x4f: {  	_ =	shalt  }
0x50: {  	_ =	shalt  }
0x51: {  	_ =	shalt  }
0x52: {  	_ =	shalt  }
0x53: {  	_ =	shalt  }
0x54: {  	_ =	shalt  }
0x55: {  	_ =	shalt  }
0x56: {  	_ =	shalt  }
0x57: {  	_ =	shalt  }
0x58: {  	_ =	shalt  }
0x59: {  	_ =	shalt  }
0x5a: {  	_ =	shalt  }
0x5b: {  	_ =	shalt  }
0x5c: {  	_ =	shalt  }
0x5d: {  	_ =	shalt  }
0x5e: {  	_ =	shalt  }
0x5f: {  	_ =	shalt  }
0x60: {  	_ =	shalt  }
0x61: {  	_ =	shalt  }
0x62: {  	_ =	shalt  }
0x63: {  	_ =	shalt  }
0x64: {  	_ =	shalt  }
0x65: {  	_ =	shalt  }
0x66: {  	_ =	shalt  }
0x67: {  	_ =	shalt  }
0x68: {  	_ =	shalt  }
0x69: {  	_ =	shalt  }
0x6a: {  	_ =	shalt  }
0x6b: {  	_ =	shalt  }
0x6c: {  	_ =	shalt  }
0x6d: {  	_ =	shalt  }
0x6e: {  	_ =	shalt  }
0x6f: {  	_ =	shalt  }
0x70: {  	_ =	shalt  }
0x71: {  	_ =	shalt  }
0x72: {  	_ =	shalt  }
0x73: {  	_ =	shalt  }
0x74: {  	_ =	shalt  }
0x75: {  	_ =	shalt  }
0x76: {  	_ =	shalt  }
0x77: {  	_ =	shalt  }
0x78: {  	_ =	shalt  }
0x79: {  	_ =	shalt  }
0x7a: {  	_ =	shalt  }
0x7b: {  	_ =	shalt  }
0x7c: {  	_ =	shalt  }
0x7d: {  	_ =	shalt  }
0x7e: {  	_ =	shalt  }
0x7f: {  	_ =	shalt  }
0x80: {  	_ =	shalt  }
0x81: {  	_ =	shalt  }
0x82: {  	_ =	shalt  }
0x83: {  	_ =	shalt  }
0x84: {  	_ =	shalt  }
0x85: {  	_ =	shalt  }
0x86: {  	_ =	shalt  }
0x87: {  	_ =	shalt  }
.Lfunc_end0:
.L_simem_size_0:
called_computation_lowered:
.L_overlay_start_0:
0x88: {  	s2 =	sld [smem:$0x3FD9]  }
0x89: {  	s3 =	sld [smem:$0x3FFE];
	_ =	sdelay $0x1  }
0x8a: {  	s1 =	srdreg.scid  }
0x8b: {  	s0 =	sand.u32 $0x1, s1  }
0x8c: {  	s16 =	sshll.u32 s0, $0xA;
	s2 =	sadd.s32 s3, s2  }
0x8d: {  	s2 =	sadd.s32 s2, s16  }
0x8e: {  	[smem:$0x3FC2] =	sst s2  }
0x8f: {  	_ = 	snop  }
0x90: {  	(tm) =	ssettm $0x1  }
0x91: {  	s17 =	sld [smem:$0x3FFB];
	_ =	sdelay $0x3  }
0x92: {  	_ =	strace s17  }
0x93: {  	s2 =	sld [smem:$0x3FFC];
	_ =	sdelay $0x3  }
0x94: {  	_ =	strace s2  }
0x95: {  	s2 =	sld [smem:$0x3FFD];
	_ =	sdelay $0x3  }
0x96: {  	_ =	strace s2  }
0x97: {  	_ =	strace $0x8FFFFFFF  }
0x98: {  	s18 =	sld [smem:$0x3FDB];
	_ =	sdelay $0x1  }
0x99: {  	s19 =	simm.s32 $_scs_section_size  }
0x9a: {  	s4 =	simm.s32 $_size__tile_overlayer_lowered;
	s5 =	simm.s32 $_tile_overlayer_lowered  }
0x9b: {  	s22 =	simm.s32 $0x1BFF;
	s21 =	sshll.u32 s5, $0x1;
	s2 =	sadd.s32 s19, s18  }
0x9c: {  	s6 =	simm.s32 $0x0;
	s20 =	sshll.u32 s4, $0x1;
	s4 =	sadd.s32 s21, s2  }
0x9d: {  	[timem:s6], [sflag:s22] =	dma.local [hbm:s4], s20  }
0x9e: {  	_ =	swait.ge [sflag:s22], s20  }
0x9f: {  	s3 =	ssub.s32 $0x0, s20;
	[sflag:s22] =	ssyncset.done $0x0  }
0xa0: {  	[sflag:s22] =	ssyncadd.s32 s3;
	_ =	sdelay $0x1  }
0xa1: {  	s23 =	simm.s32 $0x1B8B  }
0xa2: {  	_ =	swait.ge [sflag:s23], $0x1  }
0xa3: {  	[sflag:s23] =	ssyncset.done $0x0  }
0xa4: {  	s25 =	simm.s32 $0x1B8E;
	s24 =	sld [smem:$0x3FFE];
	[sflag:s23] =	ssyncadd.s32 $0xFFFFFFFF  }
0xa5: {  	s26 =	simm.s32 $execute0_lowered;
	[smem:$0x3FD2] =	sst s25  }
0xa6: {  	s4 =	sshll.u32 s26, $0x1;
	_ =	strace $0x80000046;
	[dreg:$0x1] =	wrdreg $0xFFFFFFFF  }
0xa7: {  	s28 =	simm.s32 $_size_execute0_lowered;
	s2 =	sadd.s32 s2, s4;
	[dreg:$0x0] =	wrdreg $0x0  }
0xa8: {  	s4 =	sshll.u32 s28, $0x1;
	[dreg:$0x2] =	wrdreg s2  }
0xa9: {  	[dreg:$0x3] =	wrdreg s4  }
0xaa: {  	[dreg:$0x4] =	wrdreg $0xC0  }
0xab: {  	_ =	task [dreg:s6], $0x5FFFF  }
0xac: {  	[dreg:$0x1] =	wrdreg $0xFFFFFFFF  }
0xad: {  	[dreg:$0x0] =	wrdreg $0x60  }
0xae: {  	[dreg:$0x2] =	wrdreg s24  }
0xaf: {  	[dreg:$0x3] =	wrdreg $0x9  }
0xb0: {  	_ =	task.clear_ibuf [dreg:s6], $0x4FFFF;
	_ =	strace $0x90000046  }
0xb1: {  	s29 =	simm.s32 $0x9;
	_ =	strace $0x80000048  }
0xb2: {  	_ =	swait.ge [sflag:s29], $0x1  }
0xb3: {  	[sflag:s29] =	ssyncadd.s32 $0xFFFFFFFF  }
0xb4: {  	_ =	strace $0x90000048  }
0xb5: {  	_ =	sfence  }
0xb6: {  	s30 =	sld [smem:$0x0];
	_ =	sdelay $0x2  }
0xb7: {  	s31 =	sshll.u32 s1, $0xD;
	s1 =	sshrl.u32 s1, $0x2  }
0xb8: {  	s3 =	sand.u32 $0x4000, s31;
	s1 =	sadd.s32 s1, s30  }
0xb9: {  	s0 =	sor.u32 s3, s0;
	s1 =	sshll.u32 s1, $0x11  }
0xba: {  	s0 =	sor.u32 s1, s0  }
0xbb: {  	s0 =	sadd.s32 $0x8F2B, s0  }
0xbc: {  	[sflag:s0] =	ssyncadd.remote.s32 $0x1  }
0xbd: {  	_ =	sfence.sel $0xFFFF  }
0xbe: {  	[dreg:$0x0] =	wrdreg $0xFFFFFFFF;
	(pc) =	sbr.abs _section_cstart, $3  }
0xbf: {  	[dreg:$0x1] =	wrdreg $0xFFFFFFFF  }
0xc0: {  	_ =	task.clear_ibuf [dreg:s6], $0x2FFFF;
	_ =	strace $0x9FFFFFFF  }
0xc1: {  	(tm) =	ssettm $0x7FFFFFFF  }
tec
execute0_lowered:
.L_overlay_start_1:
0x0: {  	(tag) =	ssettag $0x1  }
0x1: {  	s0 =	srdreg.scid  }
0x2: {  	s3 =	sand.u32 $0x1, s0  }
0x3: {  	s4 =	rddreg [dreg:$0x0];
	s0 =	stileid.u32;
	s1 =	sshll.u32 s3, $0x4  }
0x4: {  	s2 =	simm.s32 $0x0;
	s8 =	simm.s32 $0x0;
	s5 =	sor.u32 s0, s1  }
0x5: {  	[smem:$0x7FF] =	sst s2;
	s3 =	ssub.s32 $0x2, s3;
	s6 =	smul.u32 $0x4E2, s5  }
0x6: {  	s1 =	rddreg [dreg:$0x1];
	s7 =	sshrl.u32 s3, $0x1;
	s5 =	smul.u32 $0x500, s5  }
0x7: {  	_ =	strace $0x80000047;
	s31 =	ssub.s32 s3, s7;
	s7 =	simm.s32 $0x1  }
0x8: {  	s6 =	sadd.s32 s6, s4;
	s4 =	sadd.s32 s5, s4;
	s5 =	smax.u32 s31, $0x1  }
0x9: {  	v0 =	vimm.f32 $0.0e+00;
	v1 =	vimm.f32 $1.000000000e+00;
	s3 =	sadd.s32 $0xAE00, s6;
	s4 =	sadd.s32 $0x14C00, s4;
	s6 =	simm.s32 $0x2800  }
.LBB2_1:
0xa: {  	s9 =	simm.s32 $0x40;
	s10 =	simm.s32 $0x0  }
.LBB2_2:
0xb: {  	p0 =	sne.s32 s9, $0x9FC0;
	[tilespmem:s10+$0x0] =	vst v0;
	s10 =	smov.u32 s9;
	s9 =	sadd.s32 $0x40, s9  }
.Ltmp0:
0xc: {  	(pc) =	sbr.rel @p0 .LBB2_2-.Ltmp0, $2  }
0xd: {  	_ =	sdelay $0x2  }
0xe: {  	s10 =	sshra.s32 s10, $0x2  }
0xf: {  	[tilespmem:s10+$0x0] =	vst v0;
	s9 =	simm.s32 $0x0  }
0x10: {  	[tilespmem:s6], [sflag:$0x1] =	stream.linear.gather [hbm4b:s3+s9], $0x2710, $0x38;
	[tilespmem:$0x4F10] =	vst v63  }
0x11: {  	_ =	swait.ge [sflag:s7], $0x2710  }
0x12: {  	[sflag:s7] =	ssyncset.done $0x0  }
0x13: {  	s10 =	simm.s32 $0x0;
	s9 =	simm.s32 $0x40;
	[sflag:s7] =	ssyncadd.s32 $0xFFFFD8F0  }
.LBB2_4:
0x14: {  	p0 =	sne.s32 s9, $0x9C00;
	v2 =	vld [tilespmem:s10+$0x2800];
	_ =	sdelay $0x3  }
.Ltmp1:
0x15: {  	(pc) =	sbr.rel @p0 .LBB2_4-.Ltmp1, $2  }
0x16: {  	_ =	sdelay $0x2  }
0x17: {  	s10 =	sshra.s32 s9, $0x2;
	s9 =	sadd.s32 $0x40, s9;
	[tilespmem:v2+s2+$0x0] =	vst.idx.add.f32.msk $0xffff, v1  }
0x18: {  	v2 =	vld [tilespmem:s10+$0x2800];
	_ =	sdelay $0x5  }
0x19: {  	s8 =	sadd.s32 $0x1, s8  }
0x1a: {  	p0 =	sne.s32 s8, s5  }
.Ltmp2:
0x1b: {  	[tilespmem:v2+s2+$0x0] =	vst.idx.add.f32.msk $0xffff, v1;
	(pc) =	sbr.rel @p0 .LBB2_1-.Ltmp2, $4  }
0x1c: {  	[hbm4b:s4+s2] =	stream.linear.scatter [tilespmem:s2], [sflag:$0x1], $0x2800, $0x38;
	[tilespmem:$0x4F10] =	vst v63  }
0x1d: {  	_ =	swait.ge [sflag:s7], $0x2800  }
0x1e: {  	[sflag:s7] =	ssyncset.done $0x0  }
0x1f: {  	[sflag:s7] =	ssyncadd.s32 $0xFFFFD800  }
0x20: {  	_ =	sfence.sel $0x180000  }
0x21: {  	[bflag:$0x0] =	sbarrier.arrive $0xFFFF  }
0x22: {  	p0 =	sne.s32 s0, $0x0;
	_ =	strace $0x90000047  }
0x23: {  	s0 =	sadd.s32 @!p0 $0x100000, s1;
	[bflag:$0x2] =	sbarrier.arrive $0xFFFF  }
0x24: {  	[sflag:s0] =	ssyncadd.tile.s32 @!p0 $0x1;
	_ =	shalt  }
.Lfunc_end2:
_tile_overlayer_lowered:
.L_overlay_start_2:
0x25: {  	(tag) =	ssettag $0x2  }
0x26: {  	s0 =	rddreg [dreg:$0x0];
	s2 =	stileid.u32  }
0x27: {  	s1 =	rddreg [dreg:$0x1];
	p0 =	sne.s32 s2, $0x0  }
0x28: {  	s3 =	rddreg [dreg:$0x2];
	[bflag:$0x3] =	sbarrier.arrive $0xFFFF;
	s2 =	simm.s32 @!p0 $0x1C01  }
0x29: {  	[timem:s3], [sflag:s2] =	dma.local @!p0 [hbm:s0], s1  }
0x2a: {  	s0 =	simm.s32 @!p0 $0x1  }
0x2b: {  	_ =	swait.ge @!p0 [sflag:s0], s1  }
0x2c: {  	s1 =	ssub.s32 @!p0 $0x0, s1;
	[sflag:s0] =	ssyncset.done @!p0 $0x0  }
0x2d: {  	[sflag:s0] =	ssyncadd.s32 @!p0 s1  }
0x2e: {  	[bflag:$0x3] =	sbarrier.arrive $0xFFFF  }
0x2f: {  	_ =	shalt  }

</sc_bundles>
